<compile_context>
chip_gen: v7x
topology: tpu7x:2x2x1
jax: 0.10.2.dev20260603
libtpu: 0.0.44.dev20260713+nightly
codegen_flags: <defaults>
</compile_context>

<pallas_src>
import jax
import jax.numpy as jnp
from jax import lax
from jax.experimental import pallas as pl
from jax.experimental.pallas import tpu as pltpu
from jax.experimental.pallas import tpu_sc as plsc

N = 8192
M = 8192
L = 16
NC = 2
NS = 16
W = NC * NS
QPW = N // W

TM = 256
TN = 8192
NIB = N // TM
NJB = M // TN

_INF = float("inf")


NCH = TN // 128
NRS = TM // 8
_IBIG = 1 << 30


def _lexmin(a, b):
    av, ai = a
    bv, bi = b
    t = bv < av
    return jnp.where(t, bv, av), jnp.where(t, bi, ai)


def _tree_fold(items):
    while len(items) > 1:
        nxt = [_lexmin(items[k], items[k + 1])
               for k in range(0, len(items) - 1, 2)]
        if len(items) % 2:
            nxt.append(items[-1])
        items = nxt
    return items[0]


def _search_body(x8_ref, y8t_ref, nyh_ref, nxh_ref, rmin_o, ridx_o, ynn_ref,
                 cmin_s, cgid_s):
    i = pl.program_id(0)
    j = pl.program_id(1)

    xb = x8_ref[...].astype(jnp.bfloat16)
    yb = y8t_ref[...].astype(jnp.bfloat16)
    g = jnp.dot(xb, yb, preferred_element_type=jnp.float32)
    nyh = nyh_ref[...]
    nxh = nxh_ref[...]

    ritems = [(nyh[:, c * 128:(c + 1) * 128] - g[:, c * 128:(c + 1) * 128],
               jnp.full((TM, 128), j * NCH + c, jnp.int32))
              for c in range(NCH)]
    rv, ri = _tree_fold(ritems)

    @pl.when(j == 0)
    def _():
        rmin_o[...] = rv
        ridx_o[...] = ri

    @pl.when(j > 0)
    def _():
        mv, mi = _lexmin((rmin_o[...], ridx_o[...]), (rv, ri))
        rmin_o[...] = mv
        ridx_o[...] = mi

    citems = [(nxh[t * 8:(t + 1) * 8, :] - g[t * 8:(t + 1) * 8, :],
               jnp.full((8, TN), i * NRS + t, jnp.int32))
              for t in range(NRS)]
    cv, ci = _tree_fold(citems)

    @pl.when(i == 0)
    def _():
        cmin_s[:, pl.ds(j * TN, TN)] = cv
        cgid_s[:, pl.ds(j * TN, TN)] = ci

    @pl.when(i > 0)
    def _():
        mv, mi = _lexmin((cmin_s[:, pl.ds(j * TN, TN)],
                          cgid_s[:, pl.ds(j * TN, TN)]), (cv, ci))
        cmin_s[:, pl.ds(j * TN, TN)] = mv
        cgid_s[:, pl.ds(j * TN, TN)] = mi

    @pl.when(i == NIB - 1)
    def _():
        vals = cmin_s[:, pl.ds(j * TN, TN)]
        frow = (cgid_s[:, pl.ds(j * TN, TN)] * 8
                + lax.broadcasted_iota(jnp.int32, (8, TN), 0))
        best = jnp.min(vals, axis=0, keepdims=True)
        cand = jnp.where(vals == best, frow, _IBIG)
        ynn_ref[...] = jnp.min(cand, axis=0).reshape(1, TN)


_tc_search = pl.pallas_call(
    _search_body,
    grid=(NIB, NJB),
    in_specs=[
        pl.BlockSpec((TM, 8), lambda i, j: (i, 0)),
        pl.BlockSpec((8, TN), lambda i, j: (0, j)),
        pl.BlockSpec((1, TN), lambda i, j: (0, j)),
        pl.BlockSpec((TM, 1), lambda i, j: (i, 0)),
    ],
    out_specs=(
        pl.BlockSpec((TM, 128), lambda i, j: (i, 0)),
        pl.BlockSpec((TM, 128), lambda i, j: (i, 0)),
        pl.BlockSpec((1, TN), lambda i, j: (0, j)),
    ),
    out_shape=(
        jax.ShapeDtypeStruct((N, 128), jnp.float32),
        jax.ShapeDtypeStruct((N, 128), jnp.int32),
        jax.ShapeDtypeStruct((1, M), jnp.int32),
    ),
    scratch_shapes=[
        pltpu.VMEM((8, M), jnp.float32),
        pltpu.VMEM((8, M), jnp.int32),
    ],
)


def _rowfin_body(rmin_ref, ridx_ref, xnn_ref):
    vals = rmin_ref[...]
    fidx = ridx_ref[...] * 128 + lax.broadcasted_iota(jnp.int32, (TM, 128), 1)
    best = jnp.min(vals, axis=1, keepdims=True)
    cand = jnp.where(vals == best, fidx, _IBIG)
    xnn_ref[...] = jnp.min(cand, axis=1).reshape(1, TM)


_tc_rowfin = pl.pallas_call(
    _rowfin_body,
    grid=(NIB,),
    in_specs=[
        pl.BlockSpec((TM, 128), lambda i: (i, 0)),
        pl.BlockSpec((TM, 128), lambda i: (i, 0)),
    ],
    out_specs=pl.BlockSpec((1, TM), lambda i: (0, i)),
    out_shape=jax.ShapeDtypeStruct((1, N), jnp.int32),
)


_SC_MESH = plsc.VectorSubcoreMesh(
    core_axis_name="c", subcore_axis_name="s",
    num_cores=NC, num_subcores=NS,
)


def _gather_body(xt_hbm, yt_hbm, xnn_hbm, ynn_hbm, rsum_hbm, csum_hbm,
                 xtv, ytv, ixv, iyv, rsv, csv):
    wid = lax.axis_index("s") * NC + lax.axis_index("c")
    base = wid * QPW
    pltpu.sync_copy(xt_hbm, xtv)
    pltpu.sync_copy(yt_hbm, ytv)
    pltpu.sync_copy(xnn_hbm.at[pl.ds(base, QPW)], ixv)
    pltpu.sync_copy(ynn_hbm.at[pl.ds(base, QPW)], iyv)

    def group(k, acc):
        accr, accc = acc
        o = k * L
        jn = ixv[pl.ds(o, L)]
        g0 = plsc.load_gather(ytv, [jn])
        g1 = plsc.load_gather(ytv, [jn + M])
        g2 = plsc.load_gather(ytv, [jn + 2 * M])
        x0 = xtv[pl.ds(base + o, L)]
        x1 = xtv[pl.ds(N + base + o, L)]
        x2 = xtv[pl.ds(2 * N + base + o, L)]
        d0 = x0 - g0
        d1 = x1 - g1
        d2 = x2 - g2
        accr = accr + (d0 * d0 + d1 * d1 + d2 * d2)
        im = iyv[pl.ds(o, L)]
        h0 = plsc.load_gather(xtv, [im])
        h1 = plsc.load_gather(xtv, [im + N])
        h2 = plsc.load_gather(xtv, [im + 2 * N])
        y0 = ytv[pl.ds(base + o, L)]
        y1 = ytv[pl.ds(M + base + o, L)]
        y2 = ytv[pl.ds(2 * M + base + o, L)]
        e0 = y0 - h0
        e1 = y1 - h1
        e2 = y2 - h2
        accc = accc + (e0 * e0 + e1 * e1 + e2 * e2)
        return accr, accc

    zero = jnp.zeros((L,), jnp.float32)
    accr, accc = lax.fori_loop(0, QPW // L, group, (zero, zero))
    rsv[...] = accr
    csv[...] = accc
    pltpu.sync_copy(rsv, rsum_hbm.at[wid])
    pltpu.sync_copy(csv, csum_hbm.at[wid])


_sc_gather = pl.kernel(
    _gather_body,
    out_type=(
        jax.ShapeDtypeStruct((W, L), jnp.float32),
        jax.ShapeDtypeStruct((W, L), jnp.float32),
    ),
    mesh=_SC_MESH,
    scratch_types=[
        pltpu.VMEM((3 * N,), jnp.float32),
        pltpu.VMEM((3 * M,), jnp.float32),
        pltpu.VMEM((QPW,), jnp.int32),
        pltpu.VMEM((QPW,), jnp.int32),
        pltpu.VMEM((L,), jnp.float32),
        pltpu.VMEM((L,), jnp.float32),
    ],
    compiler_params=pltpu.CompilerParams(needs_layout_passes=False),
)


def _finish_body(rs_ref, cs_ref, out_ref):
    out_ref[0, 0] = 0.5 * (jnp.sum(rs_ref[...]) / N + jnp.sum(cs_ref[...]) / M)


_tc_finish = pl.pallas_call(
    _finish_body,
    out_shape=jax.ShapeDtypeStruct((1, 1), jnp.float32),
    out_specs=pl.BlockSpec(memory_space=pltpu.MemorySpace.SMEM),
)


@jax.jit
def kernel(x, y):
    nx = jnp.sum(x * x, axis=1)
    ny = jnp.sum(y * y, axis=1)
    x8 = jnp.concatenate([x, jnp.zeros((N, 5), jnp.float32)], axis=1)
    y8t = jnp.concatenate([y, jnp.zeros((M, 5), jnp.float32)], axis=1).T
    rmin, ridx, ynn = _tc_search(x8, y8t, (0.5 * ny).reshape(1, M),
                                 (0.5 * nx).reshape(N, 1))
    xnn = _tc_rowfin(rmin, ridx)
    rsum, csum = _sc_gather(x.T.reshape(3 * N), y.T.reshape(3 * M),
                            xnn.reshape(N), ynn.reshape(M))
    out = _tc_finish(rsum, csum)
    return out[0, 0]

# --- scband reference (transcript-rebuilt; emitter-appended) ---
"""Pipeline reference for scband-surface-loss-82841329205896 (READ-ONLY COPY).

The authoritative reference and input builder live on the scoring server;
editing this copy changes nothing except your own understanding.
"""

import jax, jax.numpy as jnp
import numpy as np

N = 8192
M = 8192
D = 3

def setup_inputs(seed: int = 0) -> dict:
    key = jax.random.key(seed)
    k1, k2 = jax.random.split(key)
    x = jax.random.normal(k1, (N, D), dtype=jnp.float32)
    y = jax.random.normal(k2, (M, D), dtype=jnp.float32)
    return {"x": x, "y": y}


def _nn_idx(a, b):
    # For each row of a, index of the nearest row in b (squared L2).
    # d2[i, j] = ||a_i||^2 + ||b_j||^2 - 2 a_i . b_j
    d2 = (jnp.sum(a * a, axis=1, keepdims=True)
          + jnp.sum(b * b, axis=1)[None, :]
          - 2.0 * (a @ b.T))
    return jnp.argmin(d2, axis=1)


def reference(x, y):
    # SurfaceLoss with loss={'SymmetricChamferLoss'} -> SymmetricMSELoss on
    # mutual nearest neighbors between predicted surface vertices x and
    # target surface vertices y.
    # y_nn = x.nearest_neighbor(y): for each y vertex, nearest x vertex
    # x_nn = y.nearest_neighbor(x): for each x vertex, nearest y vertex
    x_nn = _nn_idx(x, y)  # indices into y, one per x vertex
    y_nn = _nn_idx(y, x)  # indices into x, one per y vertex
    x_matched = jnp.take(y, x_nn, axis=0)  # gather nearest target vertices
    y_matched = jnp.take(x, y_nn, axis=0)  # gather nearest predicted vertices
    loss_xy = jnp.mean(jnp.sum((x - x_matched) ** 2, axis=1))
    loss_yx = jnp.mean(jnp.sum((y - y_matched) ** 2, axis=1))
    loss = 0.5 * (loss_xy + loss_yx)
    return loss

if __name__ == "__main__":
    import jax
    _d = setup_inputs()
    print(jax.jit(kernel)(*tuple(_d.values())))

</pallas_src>

<mosaic_0001>
#map = affine_map<(d0, d1) -> (0)>
#map1 = affine_map<(d0, d1) -> (0, 0)>
module attributes {stable_mosaic.version = 14 : i64} {
  func.func @_gather_body(%arg0: i32, %arg1: i32, %arg2: memref<24576xf32, #tpu.memory_space<hbm>>, %arg3: memref<24576xf32, #tpu.memory_space<hbm>>, %arg4: memref<8192xi32, #tpu.memory_space<hbm>>, %arg5: memref<8192xi32, #tpu.memory_space<hbm>>, %arg6: memref<32x16xf32, #tpu.memory_space<hbm>>, %arg7: memref<32x16xf32, #tpu.memory_space<hbm>>, %arg8: memref<24576xf32, #tpu.memory_space<vmem>>, %arg9: memref<24576xf32, #tpu.memory_space<vmem>>, %arg10: memref<256xi32, #tpu.memory_space<vmem>>, %arg11: memref<256xi32, #tpu.memory_space<vmem>>, %arg12: memref<16xf32, #tpu.memory_space<vmem>>, %arg13: memref<16xf32, #tpu.memory_space<vmem>>) attributes {dimension_semantics = [#tpu.dimension_semantics<core_parallel>, #tpu.dimension_semantics<subcore_parallel>], iteration_bounds = array<i64: 2, 16>, scalar_prefetch = 0 : i64, scratch_operands = 6 : i64, tpu.core_type = #tpu.core_type<sc_vector_subcore>, window_params = [{transform_indices = #map}, {transform_indices = #map}, {transform_indices = #map}, {transform_indices = #map}, {transform_indices = #map1}, {transform_indices = #map1}]} {
    %mul3A = arith.constant 2 : i32
    %mul3A_0 = arith.muli %arg1, %mul3A : i32
    %add3A = arith.addi %mul3A_0, %arg0 : i32
    %mul3A_1 = arith.constant 256 : i32
    %mul3A_2 = arith.muli %add3A, %mul3A_1 : i32
    "tpu.region"() ({
      %run_scoped3A = tpu.sem_alloc : memref<!tpu.dma_semaphore, #tpu.memory_space<semaphore_mem>>
      tpu.enqueue_dma source(%arg2 : memref<24576xf32, #tpu.memory_space<hbm>>) target(%arg8 : memref<24576xf32, #tpu.memory_space<vmem>>) target_semaphore(%run_scoped3A : memref<!tpu.dma_semaphore, #tpu.memory_space<semaphore_mem>>)
      tpu.wait_dma2 semaphore(%run_scoped3A : memref<!tpu.dma_semaphore, #tpu.memory_space<semaphore_mem>>) src(%arg2 : memref<24576xf32, #tpu.memory_space<hbm>>) dst(%arg8 : memref<24576xf32, #tpu.memory_space<vmem>>)
      tpu.yield
    }) : () -> ()
    "tpu.region"() ({
      %run_scoped3A = tpu.sem_alloc : memref<!tpu.dma_semaphore, #tpu.memory_space<semaphore_mem>>
      tpu.enqueue_dma source(%arg3 : memref<24576xf32, #tpu.memory_space<hbm>>) target(%arg9 : memref<24576xf32, #tpu.memory_space<vmem>>) target_semaphore(%run_scoped3A : memref<!tpu.dma_semaphore, #tpu.memory_space<semaphore_mem>>)
      tpu.wait_dma2 semaphore(%run_scoped3A : memref<!tpu.dma_semaphore, #tpu.memory_space<semaphore_mem>>) src(%arg3 : memref<24576xf32, #tpu.memory_space<hbm>>) dst(%arg9 : memref<24576xf32, #tpu.memory_space<vmem>>)
      tpu.yield
    }) : () -> ()
    "tpu.region"() ({
      %run_scoped3A = tpu.sem_alloc : memref<!tpu.dma_semaphore, #tpu.memory_space<semaphore_mem>>
      %dma_start3A = tpu.memref_slice %arg4[%mul3A_2] : memref<8192xi32, #tpu.memory_space<hbm>> -> memref<256xi32, #tpu.memory_space<hbm>>
      %dma_start3A_12 = tpu.memref_slice %arg4[%mul3A_2] : memref<8192xi32, #tpu.memory_space<hbm>> -> memref<256xi32, #tpu.memory_space<hbm>>
      tpu.enqueue_dma source(%dma_start3A_12 : memref<256xi32, #tpu.memory_space<hbm>>) target(%arg10 : memref<256xi32, #tpu.memory_space<vmem>>) target_semaphore(%run_scoped3A : memref<!tpu.dma_semaphore, #tpu.memory_space<semaphore_mem>>)
      %dma_wait3A = tpu.memref_slice %arg4[%mul3A_2] : memref<8192xi32, #tpu.memory_space<hbm>> -> memref<256xi32, #tpu.memory_space<hbm>>
      %dma_wait3A_13 = tpu.memref_slice %arg4[%mul3A_2] : memref<8192xi32, #tpu.memory_space<hbm>> -> memref<256xi32, #tpu.memory_space<hbm>>
      tpu.wait_dma2 semaphore(%run_scoped3A : memref<!tpu.dma_semaphore, #tpu.memory_space<semaphore_mem>>) src(%dma_wait3A_13 : memref<256xi32, #tpu.memory_space<hbm>>) dst(%arg10 : memref<256xi32, #tpu.memory_space<vmem>>)
      tpu.yield
    }) : () -> ()
    "tpu.region"() ({
      %run_scoped3A = tpu.sem_alloc : memref<!tpu.dma_semaphore, #tpu.memory_space<semaphore_mem>>
      %dma_start3A = tpu.memref_slice %arg5[%mul3A_2] : memref<8192xi32, #tpu.memory_space<hbm>> -> memref<256xi32, #tpu.memory_space<hbm>>
      %dma_start3A_12 = tpu.memref_slice %arg5[%mul3A_2] : memref<8192xi32, #tpu.memory_space<hbm>> -> memref<256xi32, #tpu.memory_space<hbm>>
      tpu.enqueue_dma source(%dma_start3A_12 : memref<256xi32, #tpu.memory_space<hbm>>) target(%arg11 : memref<256xi32, #tpu.memory_space<vmem>>) target_semaphore(%run_scoped3A : memref<!tpu.dma_semaphore, #tpu.memory_space<semaphore_mem>>)
      %dma_wait3A = tpu.memref_slice %arg5[%mul3A_2] : memref<8192xi32, #tpu.memory_space<hbm>> -> memref<256xi32, #tpu.memory_space<hbm>>
      %dma_wait3A_13 = tpu.memref_slice %arg5[%mul3A_2] : memref<8192xi32, #tpu.memory_space<hbm>> -> memref<256xi32, #tpu.memory_space<hbm>>
      tpu.wait_dma2 semaphore(%run_scoped3A : memref<!tpu.dma_semaphore, #tpu.memory_space<semaphore_mem>>) src(%dma_wait3A_13 : memref<256xi32, #tpu.memory_space<hbm>>) dst(%arg11 : memref<256xi32, #tpu.memory_space<vmem>>)
      tpu.yield
    }) : () -> ()
    %broadcast_in_dim3A = arith.constant 0.000000e+00 : f32
    %broadcast_in_dim3A_3 = vector.broadcast %broadcast_in_dim3A : f32 to vector<16xf32>
    %scan3A = arith.constant 0 : i32
    %scan3A_4 = arith.constant 16 : i32
    %scan3A_5 = arith.addi %scan3A, %scan3A_4 : i32
    %scan3A_6 = arith.constant 1 : i32
    %scan3A_7:2 = scf.for %scan3A_12 = %scan3A to %scan3A_5 step %scan3A_6 iter_args(%scan3A_13 = %broadcast_in_dim3A_3, %scan3A_14 = %broadcast_in_dim3A_3) -> (vector<16xf32>, vector<16xf32>)  : i32 {
      %mul3A_15 = arith.constant 16 : i32
      %mul3A_16 = arith.muli %scan3A_12, %mul3A_15 : i32
      %get3A = arith.index_cast %mul3A_16 : i32 to index
      %get3A_17 = tpu.vector_load %arg10[%get3A] {strides = array<i32>} : memref<256xi32, #tpu.memory_space<vmem>>, vector<16xi32>,
      %gather3A = tpu.vector_load_idx %arg9[%get3A_17] : memref<24576xf32, #tpu.memory_space<vmem>>[vector<16xi32>], vector<16xf32>,
      %add3A_18 = arith.constant 8192 : i32
      %add3A_19 = vector.broadcast %add3A_18 : i32 to vector<16xi32>
      %add3A_20 = arith.addi %get3A_17, %add3A_19 : vector<16xi32>
      %gather3A_21 = tpu.vector_load_idx %arg9[%add3A_20] : memref<24576xf32, #tpu.memory_space<vmem>>[vector<16xi32>], vector<16xf32>,
      %add3A_22 = arith.constant 16384 : i32
      %add3A_23 = vector.broadcast %add3A_22 : i32 to vector<16xi32>
      %add3A_24 = arith.addi %get3A_17, %add3A_23 : vector<16xi32>
      %gather3A_25 = tpu.vector_load_idx %arg9[%add3A_24] : memref<24576xf32, #tpu.memory_space<vmem>>[vector<16xi32>], vector<16xf32>,
      %add3A_26 = arith.addi %mul3A_2, %mul3A_16 : i32
      %get3A_27 = arith.index_cast %add3A_26 : i32 to index
      %get3A_28 = tpu.vector_load %arg8[%get3A_27] {strides = array<i32>} : memref<24576xf32, #tpu.memory_space<vmem>>, vector<16xf32>,
      %add3A_29 = arith.constant 8192 : i32
      %add3A_30 = arith.addi %add3A_29, %mul3A_2 : i32
      %add3A_31 = arith.addi %add3A_30, %mul3A_16 : i32
      %get3A_32 = arith.index_cast %add3A_31 : i32 to index
      %get3A_33 = tpu.vector_load %arg8[%get3A_32] {strides = array<i32>} : memref<24576xf32, #tpu.memory_space<vmem>>, vector<16xf32>,
      %add3A_34 = arith.constant 16384 : i32
      %add3A_35 = arith.addi %add3A_34, %mul3A_2 : i32
      %add3A_36 = arith.addi %add3A_35, %mul3A_16 : i32
      %get3A_37 = arith.index_cast %add3A_36 : i32 to index
      %get3A_38 = tpu.vector_load %arg8[%get3A_37] {strides = array<i32>} : memref<24576xf32, #tpu.memory_space<vmem>>, vector<16xf32>,
      %sub3A = arith.subf %get3A_28, %gather3A : vector<16xf32>
      %sub3A_39 = arith.subf %get3A_33, %gather3A_21 : vector<16xf32>
      %sub3A_40 = arith.subf %get3A_38, %gather3A_25 : vector<16xf32>
      %mul3A_41 = arith.mulf %sub3A, %sub3A : vector<16xf32>
      %mul3A_42 = arith.mulf %sub3A_39, %sub3A_39 : vector<16xf32>
      %add3A_43 = arith.addf %mul3A_41, %mul3A_42 : vector<16xf32>
      %mul3A_44 = arith.mulf %sub3A_40, %sub3A_40 : vector<16xf32>
      %add3A_45 = arith.addf %add3A_43, %mul3A_44 : vector<16xf32>
      %add3A_46 = arith.addf %scan3A_13, %add3A_45 : vector<16xf32>
      %get3A_47 = arith.index_cast %mul3A_16 : i32 to index
      %get3A_48 = tpu.vector_load %arg11[%get3A_47] {strides = array<i32>} : memref<256xi32, #tpu.memory_space<vmem>>, vector<16xi32>,
      %gather3A_49 = tpu.vector_load_idx %arg8[%get3A_48] : memref<24576xf32, #tpu.memory_space<vmem>>[vector<16xi32>], vector<16xf32>,
      %add3A_50 = arith.constant 8192 : i32
      %add3A_51 = vector.broadcast %add3A_50 : i32 to vector<16xi32>
      %add3A_52 = arith.addi %get3A_48, %add3A_51 : vector<16xi32>
      %gather3A_53 = tpu.vector_load_idx %arg8[%add3A_52] : memref<24576xf32, #tpu.memory_space<vmem>>[vector<16xi32>], vector<16xf32>,
      %add3A_54 = arith.constant 16384 : i32
      %add3A_55 = vector.broadcast %add3A_54 : i32 to vector<16xi32>
      %add3A_56 = arith.addi %get3A_48, %add3A_55 : vector<16xi32>
      %gather3A_57 = tpu.vector_load_idx %arg8[%add3A_56] : memref<24576xf32, #tpu.memory_space<vmem>>[vector<16xi32>], vector<16xf32>,
      %add3A_58 = arith.addi %mul3A_2, %mul3A_16 : i32
      %get3A_59 = arith.index_cast %add3A_58 : i32 to index
      %get3A_60 = tpu.vector_load %arg9[%get3A_59] {strides = array<i32>} : memref<24576xf32, #tpu.memory_space<vmem>>, vector<16xf32>,
      %add3A_61 = arith.constant 8192 : i32
      %add3A_62 = arith.addi %add3A_61, %mul3A_2 : i32
      %add3A_63 = arith.addi %add3A_62, %mul3A_16 : i32
      %get3A_64 = arith.index_cast %add3A_63 : i32 to index
      %get3A_65 = tpu.vector_load %arg9[%get3A_64] {strides = array<i32>} : memref<24576xf32, #tpu.memory_space<vmem>>, vector<16xf32>,
      %add3A_66 = arith.constant 16384 : i32
      %add3A_67 = arith.addi %add3A_66, %mul3A_2 : i32
      %add3A_68 = arith.addi %add3A_67, %mul3A_16 : i32
      %get3A_69 = arith.index_cast %add3A_68 : i32 to index
      %get3A_70 = tpu.vector_load %arg9[%get3A_69] {strides = array<i32>} : memref<24576xf32, #tpu.memory_space<vmem>>, vector<16xf32>,
      %sub3A_71 = arith.subf %get3A_60, %gather3A_49 : vector<16xf32>
      %sub3A_72 = arith.subf %get3A_65, %gather3A_53 : vector<16xf32>
      %sub3A_73 = arith.subf %get3A_70, %gather3A_57 : vector<16xf32>
      %mul3A_74 = arith.mulf %sub3A_71, %sub3A_71 : vector<16xf32>
      %mul3A_75 = arith.mulf %sub3A_72, %sub3A_72 : vector<16xf32>
      %add3A_76 = arith.addf %mul3A_74, %mul3A_75 : vector<16xf32>
      %mul3A_77 = arith.mulf %sub3A_73, %sub3A_73 : vector<16xf32>
      %add3A_78 = arith.addf %add3A_76, %mul3A_77 : vector<16xf32>
      %add3A_79 = arith.addf %scan3A_14, %add3A_78 : vector<16xf32>
      scf.yield %add3A_46, %add3A_79 : vector<16xf32>, vector<16xf32>
    }
    %scan3A_8 = arith.constant 16 : i32
    %swap3A = arith.constant 0 : index
    %swap3A_9 = tpu.vector_load %arg12[%swap3A] {strides = array<i32>} : memref<16xf32, #tpu.memory_space<vmem>>, vector<16xf32>,
    tpu.vector_store %arg12[%swap3A], %scan3A_7#0 {strides = array<i32>} : memref<16xf32, #tpu.memory_space<vmem>>, vector<16xf32>,
    %swap3A_10 = arith.constant 0 : index
    %swap3A_11 = tpu.vector_load %arg13[%swap3A_10] {strides = array<i32>} : memref<16xf32, #tpu.memory_space<vmem>>, vector<16xf32>,
    tpu.vector_store %arg13[%swap3A_10], %scan3A_7#1 {strides = array<i32>} : memref<16xf32, #tpu.memory_space<vmem>>, vector<16xf32>,
    "tpu.region"() ({
      %run_scoped3A = tpu.sem_alloc : memref<!tpu.dma_semaphore, #tpu.memory_space<semaphore_mem>>
      %dma_start3A = arith.constant 0 : i32
      %dma_start3A_12 = tpu.memref_slice %arg6[%add3A, %dma_start3A] : memref<32x16xf32, #tpu.memory_space<hbm>> -> memref<1x16xf32, #tpu.memory_space<hbm>>
      %dma_start3A_13 = tpu.memref_squeeze %dma_start3A_12 : memref<1x16xf32, #tpu.memory_space<hbm>> -> memref<16xf32, #tpu.memory_space<hbm>>
      %dma_start3A_14 = arith.constant 0 : i32
      %dma_start3A_15 = tpu.memref_slice %arg6[%add3A, %dma_start3A_14] : memref<32x16xf32, #tpu.memory_space<hbm>> -> memref<1x16xf32, #tpu.memory_space<hbm>>
      %dma_start3A_16 = tpu.memref_squeeze %dma_start3A_15 : memref<1x16xf32, #tpu.memory_space<hbm>> -> memref<16xf32, #tpu.memory_space<hbm>>
      tpu.enqueue_dma source(%arg12 : memref<16xf32, #tpu.memory_space<vmem>>) target(%dma_start3A_16 : memref<16xf32, #tpu.memory_space<hbm>>) target_semaphore(%run_scoped3A : memref<!tpu.dma_semaphore, #tpu.memory_space<semaphore_mem>>)
      %dma_wait3A = arith.constant 0 : i32
      %dma_wait3A_17 = tpu.memref_slice %arg6[%add3A, %dma_wait3A] : memref<32x16xf32, #tpu.memory_space<hbm>> -> memref<1x16xf32, #tpu.memory_space<hbm>>
      %dma_wait3A_18 = tpu.memref_squeeze %dma_wait3A_17 : memref<1x16xf32, #tpu.memory_space<hbm>> -> memref<16xf32, #tpu.memory_space<hbm>>
      %dma_wait3A_19 = arith.constant 0 : i32
      %dma_wait3A_20 = tpu.memref_slice %arg6[%add3A, %dma_wait3A_19] : memref<32x16xf32, #tpu.memory_space<hbm>> -> memref<1x16xf32, #tpu.memory_space<hbm>>
      %dma_wait3A_21 = tpu.memref_squeeze %dma_wait3A_20 : memref<1x16xf32, #tpu.memory_space<hbm>> -> memref<16xf32, #tpu.memory_space<hbm>>
      tpu.wait_dma2 semaphore(%run_scoped3A : memref<!tpu.dma_semaphore, #tpu.memory_space<semaphore_mem>>) src(%arg12 : memref<16xf32, #tpu.memory_space<vmem>>) dst(%dma_wait3A_21 : memref<16xf32, #tpu.memory_space<hbm>>)
      tpu.yield
    }) : () -> ()
    "tpu.region"() ({
      %run_scoped3A = tpu.sem_alloc : memref<!tpu.dma_semaphore, #tpu.memory_space<semaphore_mem>>
      %dma_start3A = arith.constant 0 : i32
      %dma_start3A_12 = tpu.memref_slice %arg7[%add3A, %dma_start3A] : memref<32x16xf32, #tpu.memory_space<hbm>> -> memref<1x16xf32, #tpu.memory_space<hbm>>
      %dma_start3A_13 = tpu.memref_squeeze %dma_start3A_12 : memref<1x16xf32, #tpu.memory_space<hbm>> -> memref<16xf32, #tpu.memory_space<hbm>>
      %dma_start3A_14 = arith.constant 0 : i32
      %dma_start3A_15 = tpu.memref_slice %arg7[%add3A, %dma_start3A_14] : memref<32x16xf32, #tpu.memory_space<hbm>> -> memref<1x16xf32, #tpu.memory_space<hbm>>
      %dma_start3A_16 = tpu.memref_squeeze %dma_start3A_15 : memref<1x16xf32, #tpu.memory_space<hbm>> -> memref<16xf32, #tpu.memory_space<hbm>>
      tpu.enqueue_dma source(%arg13 : memref<16xf32, #tpu.memory_space<vmem>>) target(%dma_start3A_16 : memref<16xf32, #tpu.memory_space<hbm>>) target_semaphore(%run_scoped3A : memref<!tpu.dma_semaphore, #tpu.memory_space<semaphore_mem>>)
      %dma_wait3A = arith.constant 0 : i32
      %dma_wait3A_17 = tpu.memref_slice %arg7[%add3A, %dma_wait3A] : memref<32x16xf32, #tpu.memory_space<hbm>> -> memref<1x16xf32, #tpu.memory_space<hbm>>
      %dma_wait3A_18 = tpu.memref_squeeze %dma_wait3A_17 : memref<1x16xf32, #tpu.memory_space<hbm>> -> memref<16xf32, #tpu.memory_space<hbm>>
      %dma_wait3A_19 = arith.constant 0 : i32
      %dma_wait3A_20 = tpu.memref_slice %arg7[%add3A, %dma_wait3A_19] : memref<32x16xf32, #tpu.memory_space<hbm>> -> memref<1x16xf32, #tpu.memory_space<hbm>>
      %dma_wait3A_21 = tpu.memref_squeeze %dma_wait3A_20 : memref<1x16xf32, #tpu.memory_space<hbm>> -> memref<16xf32, #tpu.memory_space<hbm>>
      tpu.wait_dma2 semaphore(%run_scoped3A : memref<!tpu.dma_semaphore, #tpu.memory_space<semaphore_mem>>) src(%arg13 : memref<16xf32, #tpu.memory_space<vmem>>) dst(%dma_wait3A_21 : memref<16xf32, #tpu.memory_space<hbm>>)
      tpu.yield
    }) : () -> ()
    return
  }
}

module attributes {stable_mosaic.version = 14 : i64} {
  func.func @_search_body(%arg0: i32, %arg1: i32, %arg2: memref<256x8xf32, #tpu.memory_space<vmem>>, %arg3: memref<8x8192xf32, #tpu.memory_space<vmem>>, %arg4: memref<1x8192xf32, #tpu.memory_space<vmem>>, %arg5: memref<256x1xf32, #tpu.memory_space<vmem>>, %arg6: memref<256x128xf32, #tpu.memory_space<vmem>>, %arg7: memref<256x128xi32, #tpu.memory_space<vmem>>, %arg8: memref<1x8192xi32, #tpu.memory_space<vmem>>, %arg9: memref<8x8192xf32, #tpu.memory_space<vmem>>, %arg10: memref<8x8192xi32, #tpu.memory_space<vmem>>) attributes {dimension_semantics = [#tpu.dimension_semantics<arbitrary>, #tpu.dimension_semantics<arbitrary>], iteration_bounds = array<i64: 32, 1>, scalar_prefetch = 0 : i64, scratch_operands = 2 : i64, tpu.core_type = #tpu.core_type<tc>, window_params = [{transform_indices = @transform_0, window_bounds = array<i64: 256, 8>}, {transform_indices = @transform_1, window_bounds = array<i64: 8, 8192>}, {transform_indices = @transform_2, window_bounds = array<i64: 1, 8192>}, {transform_indices = @transform_3, window_bounds = array<i64: 256, 1>}, {transform_indices = @transform_4, window_bounds = array<i64: 256, 128>}, {transform_indices = @transform_5, window_bounds = array<i64: 256, 128>}, {transform_indices = @transform_6, window_bounds = array<i64: 1, 8192>}]} {
    %get3A = arith.constant 0 : index
    %get3A_0 = arith.constant 0 : index
    %get3A_1 = vector.load %arg2[%get3A, %get3A_0] : memref<256x8xf32, #tpu.memory_space<vmem>>, vector<256x8xf32>
    %convert_element_type3A = arith.truncf %get3A_1 : vector<256x8xf32> to vector<256x8xbf16>
    %get3A_2 = arith.constant 0 : index
    %get3A_3 = arith.constant 0 : index
    %get3A_4 = vector.load %arg3[%get3A_2, %get3A_3] : memref<8x8192xf32, #tpu.memory_space<vmem>>, vector<8x8192xf32>
    %convert_element_type3A_5 = arith.truncf %get3A_4 : vector<8x8192xf32> to vector<8x8192xbf16>
    %dot_general3A = arith.constant dense<0.000000e+00> : vector<256x8192xf32>
    %dot_general3A_6 = tpu.matmul %convert_element_type3A, %convert_element_type3A_5, %dot_general3A {dimension_numbers = #tpu.dot_dimension_numbers<[1], [0], [0], [1], [0, 0, 1, 1], [], []>, transpose_lhs_hint = false} : vector<256x8xbf16>, vector<8x8192xbf16>, vector<256x8192xf32> -> vector<256x8192xf32>
    %get3A_7 = arith.constant 0 : index
    %get3A_8 = arith.constant 0 : index
    %get3A_9 = vector.load %arg4[%get3A_7, %get3A_8] : memref<1x8192xf32, #tpu.memory_space<vmem>>, vector<1x8192xf32>
    %get3A_10 = arith.constant 0 : index
    %get3A_11 = arith.constant 0 : index
    %get3A_12 = vector.load %arg5[%get3A_10, %get3A_11] : memref<256x1xf32, #tpu.memory_space<vmem>>, vector<256x1xf32>
    %slice3A = vector.extract_strided_slice %get3A_9 {offsets = [0, 0], sizes = [1, 128], strides = [1, 1]} : vector<1x8192xf32> to vector<1x128xf32>
    %slice3A_13 = vector.extract_strided_slice %dot_general3A_6 {offsets = [0, 0], sizes = [256, 128], strides = [1, 1]} : vector<256x8192xf32> to vector<256x128xf32>
    %sub3A = vector.broadcast %slice3A : vector<1x128xf32> to vector<256x128xf32>
    %sub3A_14 = arith.subf %sub3A, %slice3A_13 : vector<256x128xf32>
    %mul3A = arith.constant 64 : i32
    %mul3A_15 = arith.muli %arg1, %mul3A : i32
    %add3A = arith.constant 0 : i32
    %add3A_16 = arith.addi %mul3A_15, %add3A : i32
    %broadcast_in_dim3A = vector.broadcast %add3A_16 : i32 to vector<256x128xi32>
    %slice3A_17 = vector.extract_strided_slice %get3A_9 {offsets = [0, 128], sizes = [1, 128], strides = [1, 1]} : vector<1x8192xf32> to vector<1x128xf32>
    %slice3A_18 = vector.extract_strided_slice %dot_general3A_6 {offsets = [0, 128], sizes = [256, 128], strides = [1, 1]} : vector<256x8192xf32> to vector<256x128xf32>
    %sub3A_19 = vector.broadcast %slice3A_17 : vector<1x128xf32> to vector<256x128xf32>
    %sub3A_20 = arith.subf %sub3A_19, %slice3A_18 : vector<256x128xf32>
    %mul3A_21 = arith.constant 64 : i32
    %mul3A_22 = arith.muli %arg1, %mul3A_21 : i32
    %add3A_23 = arith.constant 1 : i32
    %add3A_24 = arith.addi %mul3A_22, %add3A_23 : i32
    %broadcast_in_dim3A_25 = vector.broadcast %add3A_24 : i32 to vector<256x128xi32>
    %slice3A_26 = vector.extract_strided_slice %get3A_9 {offsets = [0, 256], sizes = [1, 128], strides = [1, 1]} : vector<1x8192xf32> to vector<1x128xf32>
    %slice3A_27 = vector.extract_strided_slice %dot_general3A_6 {offsets = [0, 256], sizes = [256, 128], strides = [1, 1]} : vector<256x8192xf32> to vector<256x128xf32>
    %sub3A_28 = vector.broadcast %slice3A_26 : vector<1x128xf32> to vector<256x128xf32>
    %sub3A_29 = arith.subf %sub3A_28, %slice3A_27 : vector<256x128xf32>
    %mul3A_30 = arith.constant 64 : i32
    %mul3A_31 = arith.muli %arg1, %mul3A_30 : i32
    %add3A_32 = arith.constant 2 : i32
    %add3A_33 = arith.addi %mul3A_31, %add3A_32 : i32
    %broadcast_in_dim3A_34 = vector.broadcast %add3A_33 : i32 to vector<256x128xi32>
    %slice3A_35 = vector.extract_strided_slice %get3A_9 {offsets = [0, 384], sizes = [1, 128], strides = [1, 1]} : vector<1x8192xf32> to vector<1x128xf32>
    %slice3A_36 = vector.extract_strided_slice %dot_general3A_6 {offsets = [0, 384], sizes = [256, 128], strides = [1, 1]} : vector<256x8192xf32> to vector<256x128xf32>
    %sub3A_37 = vector.broadcast %slice3A_35 : vector<1x128xf32> to vector<256x128xf32>
    %sub3A_38 = arith.subf %sub3A_37, %slice3A_36 : vector<256x128xf32>
    %mul3A_39 = arith.constant 64 : i32
    %mul3A_40 = arith.muli %arg1, %mul3A_39 : i32
    %add3A_41 = arith.constant 3 : i32
    %add3A_42 = arith.addi %mul3A_40, %add3A_41 : i32
    %broadcast_in_dim3A_43 = vector.broadcast %add3A_42 : i32 to vector<256x128xi32>
    %slice3A_44 = vector.extract_strided_slice %get3A_9 {offsets = [0, 512], sizes = [1, 128], strides = [1, 1]} : vector<1x8192xf32> to vector<1x128xf32>
    %slice3A_45 = vector.extract_strided_slice %dot_general3A_6 {offsets = [0, 512], sizes = [256, 128], strides = [1, 1]} : vector<256x8192xf32> to vector<256x128xf32>
    %sub3A_46 = vector.broadcast %slice3A_44 : vector<1x128xf32> to vector<256x128xf32>
    %sub3A_47 = arith.subf %sub3A_46, %slice3A_45 : vector<256x128xf32>
    %mul3A_48 = arith.constant 64 : i32
    %mul3A_49 = arith.muli %arg1, %mul3A_48 : i32
    %add3A_50 = arith.constant 4 : i32
    %add3A_51 = arith.addi %mul3A_49, %add3A_50 : i32
    %broadcast_in_dim3A_52 = vector.broadcast %add3A_51 : i32 to vector<256x128xi32>
    %slice3A_53 = vector.extract_strided_slice %get3A_9 {offsets = [0, 640], sizes = [1, 128], strides = [1, 1]} : vector<1x8192xf32> to vector<1x128xf32>
    %slice3A_54 = vector.extract_strided_slice %dot_general3A_6 {offsets = [0, 640], sizes = [256, 128], strides = [1, 1]} : vector<256x8192xf32> to vector<256x128xf32>
    %sub3A_55 = vector.broadcast %slice3A_53 : vector<1x128xf32> to vector<256x128xf32>
    %sub3A_56 = arith.subf %sub3A_55, %slice3A_54 : vector<256x128xf32>
    %mul3A_57 = arith.constant 64 : i32
    %mul3A_58 = arith.muli %arg1, %mul3A_57 : i32
    %add3A_59 = arith.constant 5 : i32
    %add3A_60 = arith.addi %mul3A_58, %add3A_59 : i32
    %broadcast_in_dim3A_61 = vector.broadcast %add3A_60 : i32 to vector<256x128xi32>
    %slice3A_62 = vector.extract_strided_slice %get3A_9 {offsets = [0, 768], sizes = [1, 128], strides = [1, 1]} : vector<1x8192xf32> to vector<1x128xf32>
    %slice3A_63 = vector.extract_strided_slice %dot_general3A_6 {offsets = [0, 768], sizes = [256, 128], strides = [1, 1]} : vector<256x8192xf32> to vector<256x128xf32>
    %sub3A_64 = vector.broadcast %slice3A_62 : vector<1x128xf32> to vector<256x128xf32>
    %sub3A_65 = arith.subf %sub3A_64, %slice3A_63 : vector<256x128xf32>
    %mul3A_66 = arith.constant 64 : i32
    %mul3A_67 = arith.muli %arg1, %mul3A_66 : i32
    %add3A_68 = arith.constant 6 : i32
    %add3A_69 = arith.addi %mul3A_67, %add3A_68 : i32
    %broadcast_in_dim3A_70 = vector.broadcast %add3A_69 : i32 to vector<256x128xi32>
    %slice3A_71 = vector.extract_strided_slice %get3A_9 {offsets = [0, 896], sizes = [1, 128], strides = [1, 1]} : vector<1x8192xf32> to vector<1x128xf32>
    %slice3A_72 = vector.extract_strided_slice %dot_general3A_6 {offsets = [0, 896], sizes = [256, 128], strides = [1, 1]} : vector<256x8192xf32> to vector<256x128xf32>
    %sub3A_73 = vector.broadcast %slice3A_71 : vector<1x128xf32> to vector<256x128xf32>
    %sub3A_74 = arith.subf %sub3A_73, %slice3A_72 : vector<256x128xf32>
    %mul3A_75 = arith.constant 64 : i32
    %mul3A_76 = arith.muli %arg1, %mul3A_75 : i32
    %add3A_77 = arith.constant 7 : i32
    %add3A_78 = arith.addi %mul3A_76, %add3A_77 : i32
    %broadcast_in_dim3A_79 = vector.broadcast %add3A_78 : i32 to vector<256x128xi32>
    %slice3A_80 = vector.extract_strided_slice %get3A_9 {offsets = [0, 1024], sizes = [1, 128], strides = [1, 1]} : vector<1x8192xf32> to vector<1x128xf32>
    %slice3A_81 = vector.extract_strided_slice %dot_general3A_6 {offsets = [0, 1024], sizes = [256, 128], strides = [1, 1]} : vector<256x8192xf32> to vector<256x128xf32>
    %sub3A_82 = vector.broadcast %slice3A_80 : vector<1x128xf32> to vector<256x128xf32>
    %sub3A_83 = arith.subf %sub3A_82, %slice3A_81 : vector<256x128xf32>
    %mul3A_84 = arith.constant 64 : i32
    %mul3A_85 = arith.muli %arg1, %mul3A_84 : i32
    %add3A_86 = arith.constant 8 : i32
    %add3A_87 = arith.addi %mul3A_85, %add3A_86 : i32
    %broadcast_in_dim3A_88 = vector.broadcast %add3A_87 : i32 to vector<256x128xi32>
    %slice3A_89 = vector.extract_strided_slice %get3A_9 {offsets = [0, 1152], sizes = [1, 128], strides = [1, 1]} : vector<1x8192xf32> to vector<1x128xf32>
    %slice3A_90 = vector.extract_strided_slice %dot_general3A_6 {offsets = [0, 1152], sizes = [256, 128], strides = [1, 1]} : vector<256x8192xf32> to vector<256x128xf32>
    %sub3A_91 = vector.broadcast %slice3A_89 : vector<1x128xf32> to vector<256x128xf32>
    %sub3A_92 = arith.subf %sub3A_91, %slice3A_90 : vector<256x128xf32>
    %mul3A_93 = arith.constant 64 : i32
    %mul3A_94 = arith.muli %arg1, %mul3A_93 : i32
    %add3A_95 = arith.constant 9 : i32
    %add3A_96 = arith.addi %mul3A_94, %add3A_95 : i32
    %broadcast_in_dim3A_97 = vector.broadcast %add3A_96 : i32 to vector<256x128xi32>
    %slice3A_98 = vector.extract_strided_slice %get3A_9 {offsets = [0, 1280], sizes = [1, 128], strides = [1, 1]} : vector<1x8192xf32> to vector<1x128xf32>
    %slice3A_99 = vector.extract_strided_slice %dot_general3A_6 {offsets = [0, 1280], sizes = [256, 128], strides = [1, 1]} : vector<256x8192xf32> to vector<256x128xf32>
    %sub3A_100 = vector.broadcast %slice3A_98 : vector<1x128xf32> to vector<256x128xf32>
    %sub3A_101 = arith.subf %sub3A_100, %slice3A_99 : vector<256x128xf32>
    %mul3A_102 = arith.constant 64 : i32
    %mul3A_103 = arith.muli %arg1, %mul3A_102 : i32
    %add3A_104 = arith.constant 10 : i32
    %add3A_105 = arith.addi %mul3A_103, %add3A_104 : i32
    %broadcast_in_dim3A_106 = vector.broadcast %add3A_105 : i32 to vector<256x128xi32>
    %slice3A_107 = vector.extract_strided_slice %get3A_9 {offsets = [0, 1408], sizes = [1, 128], strides = [1, 1]} : vector<1x8192xf32> to vector<1x128xf32>
    %slice3A_108 = vector.extract_strided_slice %dot_general3A_6 {offsets = [0, 1408], sizes = [256, 128], strides = [1, 1]} : vector<256x8192xf32> to vector<256x128xf32>
    %sub3A_109 = vector.broadcast %slice3A_107 : vector<1x128xf32> to vector<256x128xf32>
    %sub3A_110 = arith.subf %sub3A_109, %slice3A_108 : vector<256x128xf32>
    %mul3A_111 = arith.constant 64 : i32
    %mul3A_112 = arith.muli %arg1, %mul3A_111 : i32
    %add3A_113 = arith.constant 11 : i32
    %add3A_114 = arith.addi %mul3A_112, %add3A_113 : i32
    %broadcast_in_dim3A_115 = vector.broadcast %add3A_114 : i32 to vector<256x128xi32>
    %slice3A_116 = vector.extract_strided_slice %get3A_9 {offsets = [0, 1536], sizes = [1, 128], strides = [1, 1]} : vector<1x8192xf32> to vector<1x128xf32>
    %slice3A_117 = vector.extract_strided_slice %dot_general3A_6 {offsets = [0, 1536], sizes = [256, 128], strides = [1, 1]} : vector<256x8192xf32> to vector<256x128xf32>
    %sub3A_118 = vector.broadcast %slice3A_116 : vector<1x128xf32> to vector<256x128xf32>
    %sub3A_119 = arith.subf %sub3A_118, %slice3A_117 : vector<256x128xf32>
    %mul3A_120 = arith.constant 64 : i32
    %mul3A_121 = arith.muli %arg1, %mul3A_120 : i32
    %add3A_122 = arith.constant 12 : i32
    %add3A_123 = arith.addi %mul3A_121, %add3A_122 : i32
    %broadcast_in_dim3A_124 = vector.broadcast %add3A_123 : i32 to vector<256x128xi32>
    %slice3A_125 = vector.extract_strided_slice %get3A_9 {offsets = [0, 1664], sizes = [1, 128], strides = [1, 1]} : vector<1x8192xf32> to vector<1x128xf32>
    %slice3A_126 = vector.extract_strided_slice %dot_general3A_6 {offsets = [0, 1664], sizes = [256, 128], strides = [1, 1]} : vector<256x8192xf32> to vector<256x128xf32>
    %sub3A_127 = vector.broadcast %slice3A_125 : vector<1x128xf32> to vector<256x128xf32>
    %sub3A_128 = arith.subf %sub3A_127, %slice3A_126 : vector<256x128xf32>
    %mul3A_129 = arith.constant 64 : i32
    %mul3A_130 = arith.muli %arg1, %mul3A_129 : i32
    %add3A_131 = arith.constant 13 : i32
    %add3A_132 = arith.addi %mul3A_130, %add3A_131 : i32
    %broadcast_in_dim3A_133 = vector.broadcast %add3A_132 : i32 to vector<256x128xi32>
    %slice3A_134 = vector.extract_strided_slice %get3A_9 {offsets = [0, 1792], sizes = [1, 128], strides = [1, 1]} : vector<1x8192xf32> to vector<1x128xf32>
    %slice3A_135 = vector.extract_strided_slice %dot_general3A_6 {offsets = [0, 1792], sizes = [256, 128], strides = [1, 1]} : vector<256x8192xf32> to vector<256x128xf32>
    %sub3A_136 = vector.broadcast %slice3A_134 : vector<1x128xf32> to vector<256x128xf32>
    %sub3A_137 = arith.subf %sub3A_136, %slice3A_135 : vector<256x128xf32>
    %mul3A_138 = arith.constant 64 : i32
    %mul3A_139 = arith.muli %arg1, %mul3A_138 : i32
    %add3A_140 = arith.constant 14 : i32
    %add3A_141 = arith.addi %mul3A_139, %add3A_140 : i32
    %broadcast_in_dim3A_142 = vector.broadcast %add3A_141 : i32 to vector<256x128xi32>
    %slice3A_143 = vector.extract_strided_slice %get3A_9 {offsets = [0, 1920], sizes = [1, 128], strides = [1, 1]} : vector<1x8192xf32> to vector<1x128xf32>
    %slice3A_144 = vector.extract_strided_slice %dot_general3A_6 {offsets = [0, 1920], sizes = [256, 128], strides = [1, 1]} : vector<256x8192xf32> to vector<256x128xf32>
    %sub3A_145 = vector.broadcast %slice3A_143 : vector<1x128xf32> to vector<256x128xf32>
    %sub3A_146 = arith.subf %sub3A_145, %slice3A_144 : vector<256x128xf32>
    %mul3A_147 = arith.constant 64 : i32
    %mul3A_148 = arith.muli %arg1, %mul3A_147 : i32
    %add3A_149 = arith.constant 15 : i32
    %add3A_150 = arith.addi %mul3A_148, %add3A_149 : i32
    %broadcast_in_dim3A_151 = vector.broadcast %add3A_150 : i32 to vector<256x128xi32>
    %slice3A_152 = vector.extract_strided_slice %get3A_9 {offsets = [0, 2048], sizes = [1, 128], strides = [1, 1]} : vector<1x8192xf32> to vector<1x128xf32>
    %slice3A_153 = vector.extract_strided_slice %dot_general3A_6 {offsets = [0, 2048], sizes = [256, 128], strides = [1, 1]} : vector<256x8192xf32> to vector<256x128xf32>
    %sub3A_154 = vector.broadcast %slice3A_152 : vector<1x128xf32> to vector<256x128xf32>
    %sub3A_155 = arith.subf %sub3A_154, %slice3A_153 : vector<256x128xf32>
    %mul3A_156 = arith.constant 64 : i32
    %mul3A_157 = arith.muli %arg1, %mul3A_156 : i32
    %add3A_158 = arith.constant 16 : i32
    %add3A_159 = arith.addi %mul3A_157, %add3A_158 : i32
    %broadcast_in_dim3A_160 = vector.broadcast %add3A_159 : i32 to vector<256x128xi32>
    %slice3A_161 = vector.extract_strided_slice %get3A_9 {offsets = [0, 2176], sizes = [1, 128], strides = [1, 1]} : vector<1x8192xf32> to vector<1x128xf32>
    %slice3A_162 = vector.extract_strided_slice %dot_general3A_6 {offsets = [0, 2176], sizes = [256, 128], strides = [1, 1]} : vector<256x8192xf32> to vector<256x128xf32>
    %sub3A_163 = vector.broadcast %slice3A_161 : vector<1x128xf32> to vector<256x128xf32>
    %sub3A_164 = arith.subf %sub3A_163, %slice3A_162 : vector<256x128xf32>
    %mul3A_165 = arith.constant 64 : i32
    %mul3A_166 = arith.muli %arg1, %mul3A_165 : i32
    %add3A_167 = arith.constant 17 : i32
    %add3A_168 = arith.addi %mul3A_166, %add3A_167 : i32
    %broadcast_in_dim3A_169 = vector.broadcast %add3A_168 : i32 to vector<256x128xi32>
    %slice3A_170 = vector.extract_strided_slice %get3A_9 {offsets = [0, 2304], sizes = [1, 128], strides = [1, 1]} : vector<1x8192xf32> to vector<1x128xf32>
    %slice3A_171 = vector.extract_strided_slice %dot_general3A_6 {offsets = [0, 2304], sizes = [256, 128], strides = [1, 1]} : vector<256x8192xf32> to vector<256x128xf32>
    %sub3A_172 = vector.broadcast %slice3A_170 : vector<1x128xf32> to vector<256x128xf32>
    %sub3A_173 = arith.subf %sub3A_172, %slice3A_171 : vector<256x128xf32>
    %mul3A_174 = arith.constant 64 : i32
    %mul3A_175 = arith.muli %arg1, %mul3A_174 : i32
    %add3A_176 = arith.constant 18 : i32
    %add3A_177 = arith.addi %mul3A_175, %add3A_176 : i32
    %broadcast_in_dim3A_178 = vector.broadcast %add3A_177 : i32 to vector<256x128xi32>
    %slice3A_179 = vector.extract_strided_slice %get3A_9 {offsets = [0, 2432], sizes = [1, 128], strides = [1, 1]} : vector<1x8192xf32> to vector<1x128xf32>
    %slice3A_180 = vector.extract_strided_slice %dot_general3A_6 {offsets = [0, 2432], sizes = [256, 128], strides = [1, 1]} : vector<256x8192xf32> to vector<256x128xf32>
    %sub3A_181 = vector.broadcast %slice3A_179 : vector<1x128xf32> to vector<256x128xf32>
    %sub3A_182 = arith.subf %sub3A_181, %slice3A_180 : vector<256x128xf32>
    %mul3A_183 = arith.constant 64 : i32
    %mul3A_184 = arith.muli %arg1, %mul3A_183 : i32
    %add3A_185 = arith.constant 19 : i32
    %add3A_186 = arith.addi %mul3A_184, %add3A_185 : i32
    %broadcast_in_dim3A_187 = vector.broadcast %add3A_186 : i32 to vector<256x128xi32>
    %slice3A_188 = vector.extract_strided_slice %get3A_9 {offsets = [0, 2560], sizes = [1, 128], strides = [1, 1]} : vector<1x8192xf32> to vector<1x128xf32>
    %slice3A_189 = vector.extract_strided_slice %dot_general3A_6 {offsets = [0, 2560], sizes = [256, 128], strides = [1, 1]} : vector<256x8192xf32> to vector<256x128xf32>
    %sub3A_190 = vector.broadcast %slice3A_188 : vector<1x128xf32> to vector<256x128xf32>
    %sub3A_191 = arith.subf %sub3A_190, %slice3A_189 : vector<256x128xf32>
    %mul3A_192 = arith.constant 64 : i32
    %mul3A_193 = arith.muli %arg1, %mul3A_192 : i32
    %add3A_194 = arith.constant 20 : i32
    %add3A_195 = arith.addi %mul3A_193, %add3A_194 : i32
    %broadcast_in_dim3A_196 = vector.broadcast %add3A_195 : i32 to vector<256x128xi32>
    %slice3A_197 = vector.extract_strided_slice %get3A_9 {offsets = [0, 2688], sizes = [1, 128], strides = [1, 1]} : vector<1x8192xf32> to vector<1x128xf32>
    %slice3A_198 = vector.extract_strided_slice %dot_general3A_6 {offsets = [0, 2688], sizes = [256, 128], strides = [1, 1]} : vector<256x8192xf32> to vector<256x128xf32>
    %sub3A_199 = vector.broadcast %slice3A_197 : vector<1x128xf32> to vector<256x128xf32>
    %sub3A_200 = arith.subf %sub3A_199, %slice3A_198 : vector<256x128xf32>
    %mul3A_201 = arith.constant 64 : i32
    %mul3A_202 = arith.muli %arg1, %mul3A_201 : i32
    %add3A_203 = arith.constant 21 : i32
    %add3A_204 = arith.addi %mul3A_202, %add3A_203 : i32
    %broadcast_in_dim3A_205 = vector.broadcast %add3A_204 : i32 to vector<256x128xi32>
    %slice3A_206 = vector.extract_strided_slice %get3A_9 {offsets = [0, 2816], sizes = [1, 128], strides = [1, 1]} : vector<1x8192xf32> to vector<1x128xf32>
    %slice3A_207 = vector.extract_strided_slice %dot_general3A_6 {offsets = [0, 2816], sizes = [256, 128], strides = [1, 1]} : vector<256x8192xf32> to vector<256x128xf32>
    %sub3A_208 = vector.broadcast %slice3A_206 : vector<1x128xf32> to vector<256x128xf32>
    %sub3A_209 = arith.subf %sub3A_208, %slice3A_207 : vector<256x128xf32>
    %mul3A_210 = arith.constant 64 : i32
    %mul3A_211 = arith.muli %arg1, %mul3A_210 : i32
    %add3A_212 = arith.constant 22 : i32
    %add3A_213 = arith.addi %mul3A_211, %add3A_212 : i32
    %broadcast_in_dim3A_214 = vector.broadcast %add3A_213 : i32 to vector<256x128xi32>
    %slice3A_215 = vector.extract_strided_slice %get3A_9 {offsets = [0, 2944], sizes = [1, 128], strides = [1, 1]} : vector<1x8192xf32> to vector<1x128xf32>
    %slice3A_216 = vector.extract_strided_slice %dot_general3A_6 {offsets = [0, 2944], sizes = [256, 128], strides = [1, 1]} : vector<256x8192xf32> to vector<256x128xf32>
    %sub3A_217 = vector.broadcast %slice3A_215 : vector<1x128xf32> to vector<256x128xf32>
    %sub3A_218 = arith.subf %sub3A_217, %slice3A_216 : vector<256x128xf32>
    %mul3A_219 = arith.constant 64 : i32
    %mul3A_220 = arith.muli %arg1, %mul3A_219 : i32
    %add3A_221 = arith.constant 23 : i32
    %add3A_222 = arith.addi %mul3A_220, %add3A_221 : i32
    %broadcast_in_dim3A_223 = vector.broadcast %add3A_222 : i32 to vector<256x128xi32>
    %slice3A_224 = vector.extract_strided_slice %get3A_9 {offsets = [0, 3072], sizes = [1, 128], strides = [1, 1]} : vector<1x8192xf32> to vector<1x128xf32>
    %slice3A_225 = vector.extract_strided_slice %dot_general3A_6 {offsets = [0, 3072], sizes = [256, 128], strides = [1, 1]} : vector<256x8192xf32> to vector<256x128xf32>
    %sub3A_226 = vector.broadcast %slice3A_224 : vector<1x128xf32> to vector<256x128xf32>
    %sub3A_227 = arith.subf %sub3A_226, %slice3A_225 : vector<256x128xf32>
    %mul3A_228 = arith.constant 64 : i32
    %mul3A_229 = arith.muli %arg1, %mul3A_228 : i32
    %add3A_230 = arith.constant 24 : i32
    %add3A_231 = arith.addi %mul3A_229, %add3A_230 : i32
    %broadcast_in_dim3A_232 = vector.broadcast %add3A_231 : i32 to vector<256x128xi32>
    %slice3A_233 = vector.extract_strided_slice %get3A_9 {offsets = [0, 3200], sizes = [1, 128], strides = [1, 1]} : vector<1x8192xf32> to vector<1x128xf32>
    %slice3A_234 = vector.extract_strided_slice %dot_general3A_6 {offsets = [0, 3200], sizes = [256, 128], strides = [1, 1]} : vector<256x8192xf32> to vector<256x128xf32>
    %sub3A_235 = vector.broadcast %slice3A_233 : vector<1x128xf32> to vector<256x128xf32>
    %sub3A_236 = arith.subf %sub3A_235, %slice3A_234 : vector<256x128xf32>
    %mul3A_237 = arith.constant 64 : i32
    %mul3A_238 = arith.muli %arg1, %mul3A_237 : i32
    %add3A_239 = arith.constant 25 : i32
    %add3A_240 = arith.addi %mul3A_238, %add3A_239 : i32
    %broadcast_in_dim3A_241 = vector.broadcast %add3A_240 : i32 to vector<256x128xi32>
    %slice3A_242 = vector.extract_strided_slice %get3A_9 {offsets = [0, 3328], sizes = [1, 128], strides = [1, 1]} : vector<1x8192xf32> to vector<1x128xf32>
    %slice3A_243 = vector.extract_strided_slice %dot_general3A_6 {offsets = [0, 3328], sizes = [256, 128], strides = [1, 1]} : vector<256x8192xf32> to vector<256x128xf32>
    %sub3A_244 = vector.broadcast %slice3A_242 : vector<1x128xf32> to vector<256x128xf32>
    %sub3A_245 = arith.subf %sub3A_244, %slice3A_243 : vector<256x128xf32>
    %mul3A_246 = arith.constant 64 : i32
    %mul3A_247 = arith.muli %arg1, %mul3A_246 : i32
    %add3A_248 = arith.constant 26 : i32
    %add3A_249 = arith.addi %mul3A_247, %add3A_248 : i32
    %broadcast_in_dim3A_250 = vector.broadcast %add3A_249 : i32 to vector<256x128xi32>
    %slice3A_251 = vector.extract_strided_slice %get3A_9 {offsets = [0, 3456], sizes = [1, 128], strides = [1, 1]} : vector<1x8192xf32> to vector<1x128xf32>
    %slice3A_252 = vector.extract_strided_slice %dot_general3A_6 {offsets = [0, 3456], sizes = [256, 128], strides = [1, 1]} : vector<256x8192xf32> to vector<256x128xf32>
    %sub3A_253 = vector.broadcast %slice3A_251 : vector<1x128xf32> to vector<256x128xf32>
    %sub3A_254 = arith.subf %sub3A_253, %slice3A_252 : vector<256x128xf32>
    %mul3A_255 = arith.constant 64 : i32
    %mul3A_256 = arith.muli %arg1, %mul3A_255 : i32
    %add3A_257 = arith.constant 27 : i32
    %add3A_258 = arith.addi %mul3A_256, %add3A_257 : i32
    %broadcast_in_dim3A_259 = vector.broadcast %add3A_258 : i32 to vector<256x128xi32>
    %slice3A_260 = vector.extract_strided_slice %get3A_9 {offsets = [0, 3584], sizes = [1, 128], strides = [1, 1]} : vector<1x8192xf32> to vector<1x128xf32>
    %slice3A_261 = vector.extract_strided_slice %dot_general3A_6 {offsets = [0, 3584], sizes = [256, 128], strides = [1, 1]} : vector<256x8192xf32> to vector<256x128xf32>
    %sub3A_262 = vector.broadcast %slice3A_260 : vector<1x128xf32> to vector<256x128xf32>
    %sub3A_263 = arith.subf %sub3A_262, %slice3A_261 : vector<256x128xf32>
    %mul3A_264 = arith.constant 64 : i32
    %mul3A_265 = arith.muli %arg1, %mul3A_264 : i32
    %add3A_266 = arith.constant 28 : i32
    %add3A_267 = arith.addi %mul3A_265, %add3A_266 : i32
    %broadcast_in_dim3A_268 = vector.broadcast %add3A_267 : i32 to vector<256x128xi32>
    %slice3A_269 = vector.extract_strided_slice %get3A_9 {offsets = [0, 3712], sizes = [1, 128], strides = [1, 1]} : vector<1x8192xf32> to vector<1x128xf32>
    %slice3A_270 = vector.extract_strided_slice %dot_general3A_6 {offsets = [0, 3712], sizes = [256, 128], strides = [1, 1]} : vector<256x8192xf32> to vector<256x128xf32>
    %sub3A_271 = vector.broadcast %slice3A_269 : vector<1x128xf32> to vector<256x128xf32>
    %sub3A_272 = arith.subf %sub3A_271, %slice3A_270 : vector<256x128xf32>
    %mul3A_273 = arith.constant 64 : i32
    %mul3A_274 = arith.muli %arg1, %mul3A_273 : i32
    %add3A_275 = arith.constant 29 : i32
    %add3A_276 = arith.addi %mul3A_274, %add3A_275 : i32
    %broadcast_in_dim3A_277 = vector.broadcast %add3A_276 : i32 to vector<256x128xi32>
    %slice3A_278 = vector.extract_strided_slice %get3A_9 {offsets = [0, 3840], sizes = [1, 128], strides = [1, 1]} : vector<1x8192xf32> to vector<1x128xf32>
    %slice3A_279 = vector.extract_strided_slice %dot_general3A_6 {offsets = [0, 3840], sizes = [256, 128], strides = [1, 1]} : vector<256x8192xf32> to vector<256x128xf32>
    %sub3A_280 = vector.broadcast %slice3A_278 : vector<1x128xf32> to vector<256x128xf32>
    %sub3A_281 = arith.subf %sub3A_280, %slice3A_279 : vector<256x128xf32>
    %mul3A_282 = arith.constant 64 : i32
    %mul3A_283 = arith.muli %arg1, %mul3A_282 : i32
    %add3A_284 = arith.constant 30 : i32
    %add3A_285 = arith.addi %mul3A_283, %add3A_284 : i32
    %broadcast_in_dim3A_286 = vector.broadcast %add3A_285 : i32 to vector<256x128xi32>
    %slice3A_287 = vector.extract_strided_slice %get3A_9 {offsets = [0, 3968], sizes = [1, 128], strides = [1, 1]} : vector<1x8192xf32> to vector<1x128xf32>
    %slice3A_288 = vector.extract_strided_slice %dot_general3A_6 {offsets = [0, 3968], sizes = [256, 128], strides = [1, 1]} : vector<256x8192xf32> to vector<256x128xf32>
    %sub3A_289 = vector.broadcast %slice3A_287 : vector<1x128xf32> to vector<256x128xf32>
    %sub3A_290 = arith.subf %sub3A_289, %slice3A_288 : vector<256x128xf32>
    %mul3A_291 = arith.constant 64 : i32
    %mul3A_292 = arith.muli %arg1, %mul3A_291 : i32
    %add3A_293 = arith.constant 31 : i32
    %add3A_294 = arith.addi %mul3A_292, %add3A_293 : i32
    %broadcast_in_dim3A_295 = vector.broadcast %add3A_294 : i32 to vector<256x128xi32>
    %slice3A_296 = vector.extract_strided_slice %get3A_9 {offsets = [0, 4096], sizes = [1, 128], strides = [1, 1]} : vector<1x8192xf32> to vector<1x128xf32>
    %slice3A_297 = vector.extract_strided_slice %dot_general3A_6 {offsets = [0, 4096], sizes = [256, 128], strides = [1, 1]} : vector<256x8192xf32> to vector<256x128xf32>
    %sub3A_298 = vector.broadcast %slice3A_296 : vector<1x128xf32> to vector<256x128xf32>
    %sub3A_299 = arith.subf %sub3A_298, %slice3A_297 : vector<256x128xf32>
    %mul3A_300 = arith.constant 64 : i32
    %mul3A_301 = arith.muli %arg1, %mul3A_300 : i32
    %add3A_302 = arith.constant 32 : i32
    %add3A_303 = arith.addi %mul3A_301, %add3A_302 : i32
    %broadcast_in_dim3A_304 = vector.broadcast %add3A_303 : i32 to vector<256x128xi32>
    %slice3A_305 = vector.extract_strided_slice %get3A_9 {offsets = [0, 4224], sizes = [1, 128], strides = [1, 1]} : vector<1x8192xf32> to vector<1x128xf32>
    %slice3A_306 = vector.extract_strided_slice %dot_general3A_6 {offsets = [0, 4224], sizes = [256, 128], strides = [1, 1]} : vector<256x8192xf32> to vector<256x128xf32>
    %sub3A_307 = vector.broadcast %slice3A_305 : vector<1x128xf32> to vector<256x128xf32>
    %sub3A_308 = arith.subf %sub3A_307, %slice3A_306 : vector<256x128xf32>
    %mul3A_309 = arith.constant 64 : i32
    %mul3A_310 = arith.muli %arg1, %mul3A_309 : i32
    %add3A_311 = arith.constant 33 : i32
    %add3A_312 = arith.addi %mul3A_310, %add3A_311 : i32
    %broadcast_in_dim3A_313 = vector.broadcast %add3A_312 : i32 to vector<256x128xi32>
    %slice3A_314 = vector.extract_strided_slice %get3A_9 {offsets = [0, 4352], sizes = [1, 128], strides = [1, 1]} : vector<1x8192xf32> to vector<1x128xf32>
    %slice3A_315 = vector.extract_strided_slice %dot_general3A_6 {offsets = [0, 4352], sizes = [256, 128], strides = [1, 1]} : vector<256x8192xf32> to vector<256x128xf32>
    %sub3A_316 = vector.broadcast %slice3A_314 : vector<1x128xf32> to vector<256x128xf32>
    %sub3A_317 = arith.subf %sub3A_316, %slice3A_315 : vector<256x128xf32>
    %mul3A_318 = arith.constant 64 : i32
    %mul3A_319 = arith.muli %arg1, %mul3A_318 : i32
    %add3A_320 = arith.constant 34 : i32
    %add3A_321 = arith.addi %mul3A_319, %add3A_320 : i32
    %broadcast_in_dim3A_322 = vector.broadcast %add3A_321 : i32 to vector<256x128xi32>
    %slice3A_323 = vector.extract_strided_slice %get3A_9 {offsets = [0, 4480], sizes = [1, 128], strides = [1, 1]} : vector<1x8192xf32> to vector<1x128xf32>
    %slice3A_324 = vector.extract_strided_slice %dot_general3A_6 {offsets = [0, 4480], sizes = [256, 128], strides = [1, 1]} : vector<256x8192xf32> to vector<256x128xf32>
    %sub3A_325 = vector.broadcast %slice3A_323 : vector<1x128xf32> to vector<256x128xf32>
    %sub3A_326 = arith.subf %sub3A_325, %slice3A_324 : vector<256x128xf32>
    %mul3A_327 = arith.constant 64 : i32
    %mul3A_328 = arith.muli %arg1, %mul3A_327 : i32
    %add3A_329 = arith.constant 35 : i32
    %add3A_330 = arith.addi %mul3A_328, %add3A_329 : i32
    %broadcast_in_dim3A_331 = vector.broadcast %add3A_330 : i32 to vector<256x128xi32>
    %slice3A_332 = vector.extract_strided_slice %get3A_9 {offsets = [0, 4608], sizes = [1, 128], strides = [1, 1]} : vector<1x8192xf32> to vector<1x128xf32>
    %slice3A_333 = vector.extract_strided_slice %dot_general3A_6 {offsets = [0, 4608], sizes = [256, 128], strides = [1, 1]} : vector<256x8192xf32> to vector<256x128xf32>
    %sub3A_334 = vector.broadcast %slice3A_332 : vector<1x128xf32> to vector<256x128xf32>
    %sub3A_335 = arith.subf %sub3A_334, %slice3A_333 : vector<256x128xf32>
    %mul3A_336 = arith.constant 64 : i32
    %mul3A_337 = arith.muli %arg1, %mul3A_336 : i32
    %add3A_338 = arith.constant 36 : i32
    %add3A_339 = arith.addi %mul3A_337, %add3A_338 : i32
    %broadcast_in_dim3A_340 = vector.broadcast %add3A_339 : i32 to vector<256x128xi32>
    %slice3A_341 = vector.extract_strided_slice %get3A_9 {offsets = [0, 4736], sizes = [1, 128], strides = [1, 1]} : vector<1x8192xf32> to vector<1x128xf32>
    %slice3A_342 = vector.extract_strided_slice %dot_general3A_6 {offsets = [0, 4736], sizes = [256, 128], strides = [1, 1]} : vector<256x8192xf32> to vector<256x128xf32>
    %sub3A_343 = vector.broadcast %slice3A_341 : vector<1x128xf32> to vector<256x128xf32>
    %sub3A_344 = arith.subf %sub3A_343, %slice3A_342 : vector<256x128xf32>
    %mul3A_345 = arith.constant 64 : i32
    %mul3A_346 = arith.muli %arg1, %mul3A_345 : i32
    %add3A_347 = arith.constant 37 : i32
    %add3A_348 = arith.addi %mul3A_346, %add3A_347 : i32
    %broadcast_in_dim3A_349 = vector.broadcast %add3A_348 : i32 to vector<256x128xi32>
    %slice3A_350 = vector.extract_strided_slice %get3A_9 {offsets = [0, 4864], sizes = [1, 128], strides = [1, 1]} : vector<1x8192xf32> to vector<1x128xf32>
    %slice3A_351 = vector.extract_strided_slice %dot_general3A_6 {offsets = [0, 4864], sizes = [256, 128], strides = [1, 1]} : vector<256x8192xf32> to vector<256x128xf32>
    %sub3A_352 = vector.broadcast %slice3A_350 : vector<1x128xf32> to vector<256x128xf32>
    %sub3A_353 = arith.subf %sub3A_352, %slice3A_351 : vector<256x128xf32>
    %mul3A_354 = arith.constant 64 : i32
    %mul3A_355 = arith.muli %arg1, %mul3A_354 : i32
    %add3A_356 = arith.constant 38 : i32
    %add3A_357 = arith.addi %mul3A_355, %add3A_356 : i32
    %broadcast_in_dim3A_358 = vector.broadcast %add3A_357 : i32 to vector<256x128xi32>
    %slice3A_359 = vector.extract_strided_slice %get3A_9 {offsets = [0, 4992], sizes = [1, 128], strides = [1, 1]} : vector<1x8192xf32> to vector<1x128xf32>
    %slice3A_360 = vector.extract_strided_slice %dot_general3A_6 {offsets = [0, 4992], sizes = [256, 128], strides = [1, 1]} : vector<256x8192xf32> to vector<256x128xf32>
    %sub3A_361 = vector.broadcast %slice3A_359 : vector<1x128xf32> to vector<256x128xf32>
    %sub3A_362 = arith.subf %sub3A_361, %slice3A_360 : vector<256x128xf32>
    %mul3A_363 = arith.constant 64 : i32
    %mul3A_364 = arith.muli %arg1, %mul3A_363 : i32
    %add3A_365 = arith.constant 39 : i32
    %add3A_366 = arith.addi %mul3A_364, %add3A_365 : i32
    %broadcast_in_dim3A_367 = vector.broadcast %add3A_366 : i32 to vector<256x128xi32>
    %slice3A_368 = vector.extract_strided_slice %get3A_9 {offsets = [0, 5120], sizes = [1, 128], strides = [1, 1]} : vector<1x8192xf32> to vector<1x128xf32>
    %slice3A_369 = vector.extract_strided_slice %dot_general3A_6 {offsets = [0, 5120], sizes = [256, 128], strides = [1, 1]} : vector<256x8192xf32> to vector<256x128xf32>
    %sub3A_370 = vector.broadcast %slice3A_368 : vector<1x128xf32> to vector<256x128xf32>
    %sub3A_371 = arith.subf %sub3A_370, %slice3A_369 : vector<256x128xf32>
    %mul3A_372 = arith.constant 64 : i32
    %mul3A_373 = arith.muli %arg1, %mul3A_372 : i32
    %add3A_374 = arith.constant 40 : i32
    %add3A_375 = arith.addi %mul3A_373, %add3A_374 : i32
    %broadcast_in_dim3A_376 = vector.broadcast %add3A_375 : i32 to vector<256x128xi32>
    %slice3A_377 = vector.extract_strided_slice %get3A_9 {offsets = [0, 5248], sizes = [1, 128], strides = [1, 1]} : vector<1x8192xf32> to vector<1x128xf32>
    %slice3A_378 = vector.extract_strided_slice %dot_general3A_6 {offsets = [0, 5248], sizes = [256, 128], strides = [1, 1]} : vector<256x8192xf32> to vector<256x128xf32>
    %sub3A_379 = vector.broadcast %slice3A_377 : vector<1x128xf32> to vector<256x128xf32>
    %sub3A_380 = arith.subf %sub3A_379, %slice3A_378 : vector<256x128xf32>
    %mul3A_381 = arith.constant 64 : i32
    %mul3A_382 = arith.muli %arg1, %mul3A_381 : i32
    %add3A_383 = arith.constant 41 : i32
    %add3A_384 = arith.addi %mul3A_382, %add3A_383 : i32
    %broadcast_in_dim3A_385 = vector.broadcast %add3A_384 : i32 to vector<256x128xi32>
    %slice3A_386 = vector.extract_strided_slice %get3A_9 {offsets = [0, 5376], sizes = [1, 128], strides = [1, 1]} : vector<1x8192xf32> to vector<1x128xf32>
    %slice3A_387 = vector.extract_strided_slice %dot_general3A_6 {offsets = [0, 5376], sizes = [256, 128], strides = [1, 1]} : vector<256x8192xf32> to vector<256x128xf32>
    %sub3A_388 = vector.broadcast %slice3A_386 : vector<1x128xf32> to vector<256x128xf32>
    %sub3A_389 = arith.subf %sub3A_388, %slice3A_387 : vector<256x128xf32>
    %mul3A_390 = arith.constant 64 : i32
    %mul3A_391 = arith.muli %arg1, %mul3A_390 : i32
    %add3A_392 = arith.constant 42 : i32
    %add3A_393 = arith.addi %mul3A_391, %add3A_392 : i32
    %broadcast_in_dim3A_394 = vector.broadcast %add3A_393 : i32 to vector<256x128xi32>
    %slice3A_395 = vector.extract_strided_slice %get3A_9 {offsets = [0, 5504], sizes = [1, 128], strides = [1, 1]} : vector<1x8192xf32> to vector<1x128xf32>
    %slice3A_396 = vector.extract_strided_slice %dot_general3A_6 {offsets = [0, 5504], sizes = [256, 128], strides = [1, 1]} : vector<256x8192xf32> to vector<256x128xf32>
    %sub3A_397 = vector.broadcast %slice3A_395 : vector<1x128xf32> to vector<256x128xf32>
    %sub3A_398 = arith.subf %sub3A_397, %slice3A_396 : vector<256x128xf32>
    %mul3A_399 = arith.constant 64 : i32
    %mul3A_400 = arith.muli %arg1, %mul3A_399 : i32
    %add3A_401 = arith.constant 43 : i32
    %add3A_402 = arith.addi %mul3A_400, %add3A_401 : i32
    %broadcast_in_dim3A_403 = vector.broadcast %add3A_402 : i32 to vector<256x128xi32>
    %slice3A_404 = vector.extract_strided_slice %get3A_9 {offsets = [0, 5632], sizes = [1, 128], strides = [1, 1]} : vector<1x8192xf32> to vector<1x128xf32>
    %slice3A_405 = vector.extract_strided_slice %dot_general3A_6 {offsets = [0, 5632], sizes = [256, 128], strides = [1, 1]} : vector<256x8192xf32> to vector<256x128xf32>
    %sub3A_406 = vector.broadcast %slice3A_404 : vector<1x128xf32> to vector<256x128xf32>
    %sub3A_407 = arith.subf %sub3A_406, %slice3A_405 : vector<256x128xf32>
    %mul3A_408 = arith.constant 64 : i32
    %mul3A_409 = arith.muli %arg1, %mul3A_408 : i32
    %add3A_410 = arith.constant 44 : i32
    %add3A_411 = arith.addi %mul3A_409, %add3A_410 : i32
    %broadcast_in_dim3A_412 = vector.broadcast %add3A_411 : i32 to vector<256x128xi32>
    %slice3A_413 = vector.extract_strided_slice %get3A_9 {offsets = [0, 5760], sizes = [1, 128], strides = [1, 1]} : vector<1x8192xf32> to vector<1x128xf32>
    %slice3A_414 = vector.extract_strided_slice %dot_general3A_6 {offsets = [0, 5760], sizes = [256, 128], strides = [1, 1]} : vector<256x8192xf32> to vector<256x128xf32>
    %sub3A_415 = vector.broadcast %slice3A_413 : vector<1x128xf32> to vector<256x128xf32>
    %sub3A_416 = arith.subf %sub3A_415, %slice3A_414 : vector<256x128xf32>
    %mul3A_417 = arith.constant 64 : i32
    %mul3A_418 = arith.muli %arg1, %mul3A_417 : i32
    %add3A_419 = arith.constant 45 : i32
    %add3A_420 = arith.addi %mul3A_418, %add3A_419 : i32
    %broadcast_in_dim3A_421 = vector.broadcast %add3A_420 : i32 to vector<256x128xi32>
    %slice3A_422 = vector.extract_strided_slice %get3A_9 {offsets = [0, 5888], sizes = [1, 128], strides = [1, 1]} : vector<1x8192xf32> to vector<1x128xf32>
    %slice3A_423 = vector.extract_strided_slice %dot_general3A_6 {offsets = [0, 5888], sizes = [256, 128], strides = [1, 1]} : vector<256x8192xf32> to vector<256x128xf32>
    %sub3A_424 = vector.broadcast %slice3A_422 : vector<1x128xf32> to vector<256x128xf32>
    %sub3A_425 = arith.subf %sub3A_424, %slice3A_423 : vector<256x128xf32>
    %mul3A_426 = arith.constant 64 : i32
    %mul3A_427 = arith.muli %arg1, %mul3A_426 : i32
    %add3A_428 = arith.constant 46 : i32
    %add3A_429 = arith.addi %mul3A_427, %add3A_428 : i32
    %broadcast_in_dim3A_430 = vector.broadcast %add3A_429 : i32 to vector<256x128xi32>
    %slice3A_431 = vector.extract_strided_slice %get3A_9 {offsets = [0, 6016], sizes = [1, 128], strides = [1, 1]} : vector<1x8192xf32> to vector<1x128xf32>
    %slice3A_432 = vector.extract_strided_slice %dot_general3A_6 {offsets = [0, 6016], sizes = [256, 128], strides = [1, 1]} : vector<256x8192xf32> to vector<256x128xf32>
    %sub3A_433 = vector.broadcast %slice3A_431 : vector<1x128xf32> to vector<256x128xf32>
    %sub3A_434 = arith.subf %sub3A_433, %slice3A_432 : vector<256x128xf32>
    %mul3A_435 = arith.constant 64 : i32
    %mul3A_436 = arith.muli %arg1, %mul3A_435 : i32
    %add3A_437 = arith.constant 47 : i32
    %add3A_438 = arith.addi %mul3A_436, %add3A_437 : i32
    %broadcast_in_dim3A_439 = vector.broadcast %add3A_438 : i32 to vector<256x128xi32>
    %slice3A_440 = vector.extract_strided_slice %get3A_9 {offsets = [0, 6144], sizes = [1, 128], strides = [1, 1]} : vector<1x8192xf32> to vector<1x128xf32>
    %slice3A_441 = vector.extract_strided_slice %dot_general3A_6 {offsets = [0, 6144], sizes = [256, 128], strides = [1, 1]} : vector<256x8192xf32> to vector<256x128xf32>
    %sub3A_442 = vector.broadcast %slice3A_440 : vector<1x128xf32> to vector<256x128xf32>
    %sub3A_443 = arith.subf %sub3A_442, %slice3A_441 : vector<256x128xf32>
    %mul3A_444 = arith.constant 64 : i32
    %mul3A_445 = arith.muli %arg1, %mul3A_444 : i32
    %add3A_446 = arith.constant 48 : i32
    %add3A_447 = arith.addi %mul3A_445, %add3A_446 : i32
    %broadcast_in_dim3A_448 = vector.broadcast %add3A_447 : i32 to vector<256x128xi32>
    %slice3A_449 = vector.extract_strided_slice %get3A_9 {offsets = [0, 6272], sizes = [1, 128], strides = [1, 1]} : vector<1x8192xf32> to vector<1x128xf32>
    %slice3A_450 = vector.extract_strided_slice %dot_general3A_6 {offsets = [0, 6272], sizes = [256, 128], strides = [1, 1]} : vector<256x8192xf32> to vector<256x128xf32>
    %sub3A_451 = vector.broadcast %slice3A_449 : vector<1x128xf32> to vector<256x128xf32>
    %sub3A_452 = arith.subf %sub3A_451, %slice3A_450 : vector<256x128xf32>
    %mul3A_453 = arith.constant 64 : i32
    %mul3A_454 = arith.muli %arg1, %mul3A_453 : i32
    %add3A_455 = arith.constant 49 : i32
    %add3A_456 = arith.addi %mul3A_454, %add3A_455 : i32
    %broadcast_in_dim3A_457 = vector.broadcast %add3A_456 : i32 to vector<256x128xi32>
    %slice3A_458 = vector.extract_strided_slice %get3A_9 {offsets = [0, 6400], sizes = [1, 128], strides = [1, 1]} : vector<1x8192xf32> to vector<1x128xf32>
    %slice3A_459 = vector.extract_strided_slice %dot_general3A_6 {offsets = [0, 6400], sizes = [256, 128], strides = [1, 1]} : vector<256x8192xf32> to vector<256x128xf32>
    %sub3A_460 = vector.broadcast %slice3A_458 : vector<1x128xf32> to vector<256x128xf32>
    %sub3A_461 = arith.subf %sub3A_460, %slice3A_459 : vector<256x128xf32>
    %mul3A_462 = arith.constant 64 : i32
    %mul3A_463 = arith.muli %arg1, %mul3A_462 : i32
    %add3A_464 = arith.constant 50 : i32
    %add3A_465 = arith.addi %mul3A_463, %add3A_464 : i32
    %broadcast_in_dim3A_466 = vector.broadcast %add3A_465 : i32 to vector<256x128xi32>
    %slice3A_467 = vector.extract_strided_slice %get3A_9 {offsets = [0, 6528], sizes = [1, 128], strides = [1, 1]} : vector<1x8192xf32> to vector<1x128xf32>
    %slice3A_468 = vector.extract_strided_slice %dot_general3A_6 {offsets = [0, 6528], sizes = [256, 128], strides = [1, 1]} : vector<256x8192xf32> to vector<256x128xf32>
    %sub3A_469 = vector.broadcast %slice3A_467 : vector<1x128xf32> to vector<256x128xf32>
    %sub3A_470 = arith.subf %sub3A_469, %slice3A_468 : vector<256x128xf32>
    %mul3A_471 = arith.constant 64 : i32
    %mul3A_472 = arith.muli %arg1, %mul3A_471 : i32
    %add3A_473 = arith.constant 51 : i32
    %add3A_474 = arith.addi %mul3A_472, %add3A_473 : i32
    %broadcast_in_dim3A_475 = vector.broadcast %add3A_474 : i32 to vector<256x128xi32>
    %slice3A_476 = vector.extract_strided_slice %get3A_9 {offsets = [0, 6656], sizes = [1, 128], strides = [1, 1]} : vector<1x8192xf32> to vector<1x128xf32>
    %slice3A_477 = vector.extract_strided_slice %dot_general3A_6 {offsets = [0, 6656], sizes = [256, 128], strides = [1, 1]} : vector<256x8192xf32> to vector<256x128xf32>
    %sub3A_478 = vector.broadcast %slice3A_476 : vector<1x128xf32> to vector<256x128xf32>
    %sub3A_479 = arith.subf %sub3A_478, %slice3A_477 : vector<256x128xf32>
    %mul3A_480 = arith.constant 64 : i32
    %mul3A_481 = arith.muli %arg1, %mul3A_480 : i32
    %add3A_482 = arith.constant 52 : i32
    %add3A_483 = arith.addi %mul3A_481, %add3A_482 : i32
    %broadcast_in_dim3A_484 = vector.broadcast %add3A_483 : i32 to vector<256x128xi32>
    %slice3A_485 = vector.extract_strided_slice %get3A_9 {offsets = [0, 6784], sizes = [1, 128], strides = [1, 1]} : vector<1x8192xf32> to vector<1x128xf32>
    %slice3A_486 = vector.extract_strided_slice %dot_general3A_6 {offsets = [0, 6784], sizes = [256, 128], strides = [1, 1]} : vector<256x8192xf32> to vector<256x128xf32>
    %sub3A_487 = vector.broadcast %slice3A_485 : vector<1x128xf32> to vector<256x128xf32>
    %sub3A_488 = arith.subf %sub3A_487, %slice3A_486 : vector<256x128xf32>
    %mul3A_489 = arith.constant 64 : i32
    %mul3A_490 = arith.muli %arg1, %mul3A_489 : i32
    %add3A_491 = arith.constant 53 : i32
    %add3A_492 = arith.addi %mul3A_490, %add3A_491 : i32
    %broadcast_in_dim3A_493 = vector.broadcast %add3A_492 : i32 to vector<256x128xi32>
    %slice3A_494 = vector.extract_strided_slice %get3A_9 {offsets = [0, 6912], sizes = [1, 128], strides = [1, 1]} : vector<1x8192xf32> to vector<1x128xf32>
    %slice3A_495 = vector.extract_strided_slice %dot_general3A_6 {offsets = [0, 6912], sizes = [256, 128], strides = [1, 1]} : vector<256x8192xf32> to vector<256x128xf32>
    %sub3A_496 = vector.broadcast %slice3A_494 : vector<1x128xf32> to vector<256x128xf32>
    %sub3A_497 = arith.subf %sub3A_496, %slice3A_495 : vector<256x128xf32>
    %mul3A_498 = arith.constant 64 : i32
    %mul3A_499 = arith.muli %arg1, %mul3A_498 : i32
    %add3A_500 = arith.constant 54 : i32
    %add3A_501 = arith.addi %mul3A_499, %add3A_500 : i32
    %broadcast_in_dim3A_502 = vector.broadcast %add3A_501 : i32 to vector<256x128xi32>
    %slice3A_503 = vector.extract_strided_slice %get3A_9 {offsets = [0, 7040], sizes = [1, 128], strides = [1, 1]} : vector<1x8192xf32> to vector<1x128xf32>
    %slice3A_504 = vector.extract_strided_slice %dot_general3A_6 {offsets = [0, 7040], sizes = [256, 128], strides = [1, 1]} : vector<256x8192xf32> to vector<256x128xf32>
    %sub3A_505 = vector.broadcast %slice3A_503 : vector<1x128xf32> to vector<256x128xf32>
    %sub3A_506 = arith.subf %sub3A_505, %slice3A_504 : vector<256x128xf32>
    %mul3A_507 = arith.constant 64 : i32
    %mul3A_508 = arith.muli %arg1, %mul3A_507 : i32
    %add3A_509 = arith.constant 55 : i32
    %add3A_510 = arith.addi %mul3A_508, %add3A_509 : i32
    %broadcast_in_dim3A_511 = vector.broadcast %add3A_510 : i32 to vector<256x128xi32>
    %slice3A_512 = vector.extract_strided_slice %get3A_9 {offsets = [0, 7168], sizes = [1, 128], strides = [1, 1]} : vector<1x8192xf32> to vector<1x128xf32>
    %slice3A_513 = vector.extract_strided_slice %dot_general3A_6 {offsets = [0, 7168], sizes = [256, 128], strides = [1, 1]} : vector<256x8192xf32> to vector<256x128xf32>
    %sub3A_514 = vector.broadcast %slice3A_512 : vector<1x128xf32> to vector<256x128xf32>
    %sub3A_515 = arith.subf %sub3A_514, %slice3A_513 : vector<256x128xf32>
    %mul3A_516 = arith.constant 64 : i32
    %mul3A_517 = arith.muli %arg1, %mul3A_516 : i32
    %add3A_518 = arith.constant 56 : i32
    %add3A_519 = arith.addi %mul3A_517, %add3A_518 : i32
    %broadcast_in_dim3A_520 = vector.broadcast %add3A_519 : i32 to vector<256x128xi32>
    %slice3A_521 = vector.extract_strided_slice %get3A_9 {offsets = [0, 7296], sizes = [1, 128], strides = [1, 1]} : vector<1x8192xf32> to vector<1x128xf32>
    %slice3A_522 = vector.extract_strided_slice %dot_general3A_6 {offsets = [0, 7296], sizes = [256, 128], strides = [1, 1]} : vector<256x8192xf32> to vector<256x128xf32>
    %sub3A_523 = vector.broadcast %slice3A_521 : vector<1x128xf32> to vector<256x128xf32>
    %sub3A_524 = arith.subf %sub3A_523, %slice3A_522 : vector<256x128xf32>
    %mul3A_525 = arith.constant 64 : i32
    %mul3A_526 = arith.muli %arg1, %mul3A_525 : i32
    %add3A_527 = arith.constant 57 : i32
    %add3A_528 = arith.addi %mul3A_526, %add3A_527 : i32
    %broadcast_in_dim3A_529 = vector.broadcast %add3A_528 : i32 to vector<256x128xi32>
    %slice3A_530 = vector.extract_strided_slice %get3A_9 {offsets = [0, 7424], sizes = [1, 128], strides = [1, 1]} : vector<1x8192xf32> to vector<1x128xf32>
    %slice3A_531 = vector.extract_strided_slice %dot_general3A_6 {offsets = [0, 7424], sizes = [256, 128], strides = [1, 1]} : vector<256x8192xf32> to vector<256x128xf32>
    %sub3A_532 = vector.broadcast %slice3A_530 : vector<1x128xf32> to vector<256x128xf32>
    %sub3A_533 = arith.subf %sub3A_532, %slice3A_531 : vector<256x128xf32>
    %mul3A_534 = arith.constant 64 : i32
    %mul3A_535 = arith.muli %arg1, %mul3A_534 : i32
    %add3A_536 = arith.constant 58 : i32
    %add3A_537 = arith.addi %mul3A_535, %add3A_536 : i32
    %broadcast_in_dim3A_538 = vector.broadcast %add3A_537 : i32 to vector<256x128xi32>
    %slice3A_539 = vector.extract_strided_slice %get3A_9 {offsets = [0, 7552], sizes = [1, 128], strides = [1, 1]} : vector<1x8192xf32> to vector<1x128xf32>
    %slice3A_540 = vector.extract_strided_slice %dot_general3A_6 {offsets = [0, 7552], sizes = [256, 128], strides = [1, 1]} : vector<256x8192xf32> to vector<256x128xf32>
    %sub3A_541 = vector.broadcast %slice3A_539 : vector<1x128xf32> to vector<256x128xf32>
    %sub3A_542 = arith.subf %sub3A_541, %slice3A_540 : vector<256x128xf32>
    %mul3A_543 = arith.constant 64 : i32
    %mul3A_544 = arith.muli %arg1, %mul3A_543 : i32
    %add3A_545 = arith.constant 59 : i32
    %add3A_546 = arith.addi %mul3A_544, %add3A_545 : i32
    %broadcast_in_dim3A_547 = vector.broadcast %add3A_546 : i32 to vector<256x128xi32>
    %slice3A_548 = vector.extract_strided_slice %get3A_9 {offsets = [0, 7680], sizes = [1, 128], strides = [1, 1]} : vector<1x8192xf32> to vector<1x128xf32>
    %slice3A_549 = vector.extract_strided_slice %dot_general3A_6 {offsets = [0, 7680], sizes = [256, 128], strides = [1, 1]} : vector<256x8192xf32> to vector<256x128xf32>
    %sub3A_550 = vector.broadcast %slice3A_548 : vector<1x128xf32> to vector<256x128xf32>
    %sub3A_551 = arith.subf %sub3A_550, %slice3A_549 : vector<256x128xf32>
    %mul3A_552 = arith.constant 64 : i32
    %mul3A_553 = arith.muli %arg1, %mul3A_552 : i32
    %add3A_554 = arith.constant 60 : i32
    %add3A_555 = arith.addi %mul3A_553, %add3A_554 : i32
    %broadcast_in_dim3A_556 = vector.broadcast %add3A_555 : i32 to vector<256x128xi32>
    %slice3A_557 = vector.extract_strided_slice %get3A_9 {offsets = [0, 7808], sizes = [1, 128], strides = [1, 1]} : vector<1x8192xf32> to vector<1x128xf32>
    %slice3A_558 = vector.extract_strided_slice %dot_general3A_6 {offsets = [0, 7808], sizes = [256, 128], strides = [1, 1]} : vector<256x8192xf32> to vector<256x128xf32>
    %sub3A_559 = vector.broadcast %slice3A_557 : vector<1x128xf32> to vector<256x128xf32>
    %sub3A_560 = arith.subf %sub3A_559, %slice3A_558 : vector<256x128xf32>
    %mul3A_561 = arith.constant 64 : i32
    %mul3A_562 = arith.muli %arg1, %mul3A_561 : i32
    %add3A_563 = arith.constant 61 : i32
    %add3A_564 = arith.addi %mul3A_562, %add3A_563 : i32
    %broadcast_in_dim3A_565 = vector.broadcast %add3A_564 : i32 to vector<256x128xi32>
    %slice3A_566 = vector.extract_strided_slice %get3A_9 {offsets = [0, 7936], sizes = [1, 128], strides = [1, 1]} : vector<1x8192xf32> to vector<1x128xf32>
    %slice3A_567 = vector.extract_strided_slice %dot_general3A_6 {offsets = [0, 7936], sizes = [256, 128], strides = [1, 1]} : vector<256x8192xf32> to vector<256x128xf32>
    %sub3A_568 = vector.broadcast %slice3A_566 : vector<1x128xf32> to vector<256x128xf32>
    %sub3A_569 = arith.subf %sub3A_568, %slice3A_567 : vector<256x128xf32>
    %mul3A_570 = arith.constant 64 : i32
    %mul3A_571 = arith.muli %arg1, %mul3A_570 : i32
    %add3A_572 = arith.constant 62 : i32
    %add3A_573 = arith.addi %mul3A_571, %add3A_572 : i32
    %broadcast_in_dim3A_574 = vector.broadcast %add3A_573 : i32 to vector<256x128xi32>
    %slice3A_575 = vector.extract_strided_slice %get3A_9 {offsets = [0, 8064], sizes = [1, 128], strides = [1, 1]} : vector<1x8192xf32> to vector<1x128xf32>
    %slice3A_576 = vector.extract_strided_slice %dot_general3A_6 {offsets = [0, 8064], sizes = [256, 128], strides = [1, 1]} : vector<256x8192xf32> to vector<256x128xf32>
    %sub3A_577 = vector.broadcast %slice3A_575 : vector<1x128xf32> to vector<256x128xf32>
    %sub3A_578 = arith.subf %sub3A_577, %slice3A_576 : vector<256x128xf32>
    %mul3A_579 = arith.constant 64 : i32
    %mul3A_580 = arith.muli %arg1, %mul3A_579 : i32
    %add3A_581 = arith.constant 63 : i32
    %add3A_582 = arith.addi %mul3A_580, %add3A_581 : i32
    %broadcast_in_dim3A_583 = vector.broadcast %add3A_582 : i32 to vector<256x128xi32>
    %lt3A = arith.cmpf olt, %sub3A_20, %sub3A_14 : vector<256x128xf32>
    %select_n3A = arith.select %lt3A, %sub3A_20, %sub3A_14 : vector<256x128xi1>, vector<256x128xf32>
    %select_n3A_584 = arith.select %lt3A, %broadcast_in_dim3A_25, %broadcast_in_dim3A : vector<256x128xi1>, vector<256x128xi32>
    %lt3A_585 = arith.cmpf olt, %sub3A_38, %sub3A_29 : vector<256x128xf32>
    %select_n3A_586 = arith.select %lt3A_585, %sub3A_38, %sub3A_29 : vector<256x128xi1>, vector<256x128xf32>
    %select_n3A_587 = arith.select %lt3A_585, %broadcast_in_dim3A_43, %broadcast_in_dim3A_34 : vector<256x128xi1>, vector<256x128xi32>
    %lt3A_588 = arith.cmpf olt, %sub3A_56, %sub3A_47 : vector<256x128xf32>
    %select_n3A_589 = arith.select %lt3A_588, %sub3A_56, %sub3A_47 : vector<256x128xi1>, vector<256x128xf32>
    %select_n3A_590 = arith.select %lt3A_588, %broadcast_in_dim3A_61, %broadcast_in_dim3A_52 : vector<256x128xi1>, vector<256x128xi32>
    %lt3A_591 = arith.cmpf olt, %sub3A_74, %sub3A_65 : vector<256x128xf32>
    %select_n3A_592 = arith.select %lt3A_591, %sub3A_74, %sub3A_65 : vector<256x128xi1>, vector<256x128xf32>
    %select_n3A_593 = arith.select %lt3A_591, %broadcast_in_dim3A_79, %broadcast_in_dim3A_70 : vector<256x128xi1>, vector<256x128xi32>
    %lt3A_594 = arith.cmpf olt, %sub3A_92, %sub3A_83 : vector<256x128xf32>
    %select_n3A_595 = arith.select %lt3A_594, %sub3A_92, %sub3A_83 : vector<256x128xi1>, vector<256x128xf32>
    %select_n3A_596 = arith.select %lt3A_594, %broadcast_in_dim3A_97, %broadcast_in_dim3A_88 : vector<256x128xi1>, vector<256x128xi32>
    %lt3A_597 = arith.cmpf olt, %sub3A_110, %sub3A_101 : vector<256x128xf32>
    %select_n3A_598 = arith.select %lt3A_597, %sub3A_110, %sub3A_101 : vector<256x128xi1>, vector<256x128xf32>
    %select_n3A_599 = arith.select %lt3A_597, %broadcast_in_dim3A_115, %broadcast_in_dim3A_106 : vector<256x128xi1>, vector<256x128xi32>
    %lt3A_600 = arith.cmpf olt, %sub3A_128, %sub3A_119 : vector<256x128xf32>
    %select_n3A_601 = arith.select %lt3A_600, %sub3A_128, %sub3A_119 : vector<256x128xi1>, vector<256x128xf32>
    %select_n3A_602 = arith.select %lt3A_600, %broadcast_in_dim3A_133, %broadcast_in_dim3A_124 : vector<256x128xi1>, vector<256x128xi32>
    %lt3A_603 = arith.cmpf olt, %sub3A_146, %sub3A_137 : vector<256x128xf32>
    %select_n3A_604 = arith.select %lt3A_603, %sub3A_146, %sub3A_137 : vector<256x128xi1>, vector<256x128xf32>
    %select_n3A_605 = arith.select %lt3A_603, %broadcast_in_dim3A_151, %broadcast_in_dim3A_142 : vector<256x128xi1>, vector<256x128xi32>
    %lt3A_606 = arith.cmpf olt, %sub3A_164, %sub3A_155 : vector<256x128xf32>
    %select_n3A_607 = arith.select %lt3A_606, %sub3A_164, %sub3A_155 : vector<256x128xi1>, vector<256x128xf32>
    %select_n3A_608 = arith.select %lt3A_606, %broadcast_in_dim3A_169, %broadcast_in_dim3A_160 : vector<256x128xi1>, vector<256x128xi32>
    %lt3A_609 = arith.cmpf olt, %sub3A_182, %sub3A_173 : vector<256x128xf32>
    %select_n3A_610 = arith.select %lt3A_609, %sub3A_182, %sub3A_173 : vector<256x128xi1>, vector<256x128xf32>
    %select_n3A_611 = arith.select %lt3A_609, %broadcast_in_dim3A_187, %broadcast_in_dim3A_178 : vector<256x128xi1>, vector<256x128xi32>
    %lt3A_612 = arith.cmpf olt, %sub3A_200, %sub3A_191 : vector<256x128xf32>
    %select_n3A_613 = arith.select %lt3A_612, %sub3A_200, %sub3A_191 : vector<256x128xi1>, vector<256x128xf32>
    %select_n3A_614 = arith.select %lt3A_612, %broadcast_in_dim3A_205, %broadcast_in_dim3A_196 : vector<256x128xi1>, vector<256x128xi32>
    %lt3A_615 = arith.cmpf olt, %sub3A_218, %sub3A_209 : vector<256x128xf32>
    %select_n3A_616 = arith.select %lt3A_615, %sub3A_218, %sub3A_209 : vector<256x128xi1>, vector<256x128xf32>
    %select_n3A_617 = arith.select %lt3A_615, %broadcast_in_dim3A_223, %broadcast_in_dim3A_214 : vector<256x128xi1>, vector<256x128xi32>
    %lt3A_618 = arith.cmpf olt, %sub3A_236, %sub3A_227 : vector<256x128xf32>
    %select_n3A_619 = arith.select %lt3A_618, %sub3A_236, %sub3A_227 : vector<256x128xi1>, vector<256x128xf32>
    %select_n3A_620 = arith.select %lt3A_618, %broadcast_in_dim3A_241, %broadcast_in_dim3A_232 : vector<256x128xi1>, vector<256x128xi32>
    %lt3A_621 = arith.cmpf olt, %sub3A_254, %sub3A_245 : vector<256x128xf32>
    %select_n3A_622 = arith.select %lt3A_621, %sub3A_254, %sub3A_245 : vector<256x128xi1>, vector<256x128xf32>
    %select_n3A_623 = arith.select %lt3A_621, %broadcast_in_dim3A_259, %broadcast_in_dim3A_250 : vector<256x128xi1>, vector<256x128xi32>
    %lt3A_624 = arith.cmpf olt, %sub3A_272, %sub3A_263 : vector<256x128xf32>
    %select_n3A_625 = arith.select %lt3A_624, %sub3A_272, %sub3A_263 : vector<256x128xi1>, vector<256x128xf32>
    %select_n3A_626 = arith.select %lt3A_624, %broadcast_in_dim3A_277, %broadcast_in_dim3A_268 : vector<256x128xi1>, vector<256x128xi32>
    %lt3A_627 = arith.cmpf olt, %sub3A_290, %sub3A_281 : vector<256x128xf32>
    %select_n3A_628 = arith.select %lt3A_627, %sub3A_290, %sub3A_281 : vector<256x128xi1>, vector<256x128xf32>
    %select_n3A_629 = arith.select %lt3A_627, %broadcast_in_dim3A_295, %broadcast_in_dim3A_286 : vector<256x128xi1>, vector<256x128xi32>
    %lt3A_630 = arith.cmpf olt, %sub3A_308, %sub3A_299 : vector<256x128xf32>
    %select_n3A_631 = arith.select %lt3A_630, %sub3A_308, %sub3A_299 : vector<256x128xi1>, vector<256x128xf32>
    %select_n3A_632 = arith.select %lt3A_630, %broadcast_in_dim3A_313, %broadcast_in_dim3A_304 : vector<256x128xi1>, vector<256x128xi32>
    %lt3A_633 = arith.cmpf olt, %sub3A_326, %sub3A_317 : vector<256x128xf32>
    %select_n3A_634 = arith.select %lt3A_633, %sub3A_326, %sub3A_317 : vector<256x128xi1>, vector<256x128xf32>
    %select_n3A_635 = arith.select %lt3A_633, %broadcast_in_dim3A_331, %broadcast_in_dim3A_322 : vector<256x128xi1>, vector<256x128xi32>
    %lt3A_636 = arith.cmpf olt, %sub3A_344, %sub3A_335 : vector<256x128xf32>
    %select_n3A_637 = arith.select %lt3A_636, %sub3A_344, %sub3A_335 : vector<256x128xi1>, vector<256x128xf32>
    %select_n3A_638 = arith.select %lt3A_636, %broadcast_in_dim3A_349, %broadcast_in_dim3A_340 : vector<256x128xi1>, vector<256x128xi32>
    %lt3A_639 = arith.cmpf olt, %sub3A_362, %sub3A_353 : vector<256x128xf32>
    %select_n3A_640 = arith.select %lt3A_639, %sub3A_362, %sub3A_353 : vector<256x128xi1>, vector<256x128xf32>
    %select_n3A_641 = arith.select %lt3A_639, %broadcast_in_dim3A_367, %broadcast_in_dim3A_358 : vector<256x128xi1>, vector<256x128xi32>
    %lt3A_642 = arith.cmpf olt, %sub3A_380, %sub3A_371 : vector<256x128xf32>
    %select_n3A_643 = arith.select %lt3A_642, %sub3A_380, %sub3A_371 : vector<256x128xi1>, vector<256x128xf32>
    %select_n3A_644 = arith.select %lt3A_642, %broadcast_in_dim3A_385, %broadcast_in_dim3A_376 : vector<256x128xi1>, vector<256x128xi32>
    %lt3A_645 = arith.cmpf olt, %sub3A_398, %sub3A_389 : vector<256x128xf32>
    %select_n3A_646 = arith.select %lt3A_645, %sub3A_398, %sub3A_389 : vector<256x128xi1>, vector<256x128xf32>
    %select_n3A_647 = arith.select %lt3A_645, %broadcast_in_dim3A_403, %broadcast_in_dim3A_394 : vector<256x128xi1>, vector<256x128xi32>
    %lt3A_648 = arith.cmpf olt, %sub3A_416, %sub3A_407 : vector<256x128xf32>
    %select_n3A_649 = arith.select %lt3A_648, %sub3A_416, %sub3A_407 : vector<256x128xi1>, vector<256x128xf32>
    %select_n3A_650 = arith.select %lt3A_648, %broadcast_in_dim3A_421, %broadcast_in_dim3A_412 : vector<256x128xi1>, vector<256x128xi32>
    %lt3A_651 = arith.cmpf olt, %sub3A_434, %sub3A_425 : vector<256x128xf32>
    %select_n3A_652 = arith.select %lt3A_651, %sub3A_434, %sub3A_425 : vector<256x128xi1>, vector<256x128xf32>
    %select_n3A_653 = arith.select %lt3A_651, %broadcast_in_dim3A_439, %broadcast_in_dim3A_430 : vector<256x128xi1>, vector<256x128xi32>
    %lt3A_654 = arith.cmpf olt, %sub3A_452, %sub3A_443 : vector<256x128xf32>
    %select_n3A_655 = arith.select %lt3A_654, %sub3A_452, %sub3A_443 : vector<256x128xi1>, vector<256x128xf32>
    %select_n3A_656 = arith.select %lt3A_654, %broadcast_in_dim3A_457, %broadcast_in_dim3A_448 : vector<256x128xi1>, vector<256x128xi32>
    %lt3A_657 = arith.cmpf olt, %sub3A_470, %sub3A_461 : vector<256x128xf32>
    %select_n3A_658 = arith.select %lt3A_657, %sub3A_470, %sub3A_461 : vector<256x128xi1>, vector<256x128xf32>
    %select_n3A_659 = arith.select %lt3A_657, %broadcast_in_dim3A_475, %broadcast_in_dim3A_466 : vector<256x128xi1>, vector<256x128xi32>
    %lt3A_660 = arith.cmpf olt, %sub3A_488, %sub3A_479 : vector<256x128xf32>
    %select_n3A_661 = arith.select %lt3A_660, %sub3A_488, %sub3A_479 : vector<256x128xi1>, vector<256x128xf32>
    %select_n3A_662 = arith.select %lt3A_660, %broadcast_in_dim3A_493, %broadcast_in_dim3A_484 : vector<256x128xi1>, vector<256x128xi32>
    %lt3A_663 = arith.cmpf olt, %sub3A_506, %sub3A_497 : vector<256x128xf32>
    %select_n3A_664 = arith.select %lt3A_663, %sub3A_506, %sub3A_497 : vector<256x128xi1>, vector<256x128xf32>
    %select_n3A_665 = arith.select %lt3A_663, %broadcast_in_dim3A_511, %broadcast_in_dim3A_502 : vector<256x128xi1>, vector<256x128xi32>
    %lt3A_666 = arith.cmpf olt, %sub3A_524, %sub3A_515 : vector<256x128xf32>
    %select_n3A_667 = arith.select %lt3A_666, %sub3A_524, %sub3A_515 : vector<256x128xi1>, vector<256x128xf32>
    %select_n3A_668 = arith.select %lt3A_666, %broadcast_in_dim3A_529, %broadcast_in_dim3A_520 : vector<256x128xi1>, vector<256x128xi32>
    %lt3A_669 = arith.cmpf olt, %sub3A_542, %sub3A_533 : vector<256x128xf32>
    %select_n3A_670 = arith.select %lt3A_669, %sub3A_542, %sub3A_533 : vector<256x128xi1>, vector<256x128xf32>
    %select_n3A_671 = arith.select %lt3A_669, %broadcast_in_dim3A_547, %broadcast_in_dim3A_538 : vector<256x128xi1>, vector<256x128xi32>
    %lt3A_672 = arith.cmpf olt, %sub3A_560, %sub3A_551 : vector<256x128xf32>
    %select_n3A_673 = arith.select %lt3A_672, %sub3A_560, %sub3A_551 : vector<256x128xi1>, vector<256x128xf32>
    %select_n3A_674 = arith.select %lt3A_672, %broadcast_in_dim3A_565, %broadcast_in_dim3A_556 : vector<256x128xi1>, vector<256x128xi32>
    %lt3A_675 = arith.cmpf olt, %sub3A_578, %sub3A_569 : vector<256x128xf32>
    %select_n3A_676 = arith.select %lt3A_675, %sub3A_578, %sub3A_569 : vector<256x128xi1>, vector<256x128xf32>
    %select_n3A_677 = arith.select %lt3A_675, %broadcast_in_dim3A_583, %broadcast_in_dim3A_574 : vector<256x128xi1>, vector<256x128xi32>
    %lt3A_678 = arith.cmpf olt, %select_n3A_586, %select_n3A : vector<256x128xf32>
    %select_n3A_679 = arith.select %lt3A_678, %select_n3A_586, %select_n3A : vector<256x128xi1>, vector<256x128xf32>
    %select_n3A_680 = arith.select %lt3A_678, %select_n3A_587, %select_n3A_584 : vector<256x128xi1>, vector<256x128xi32>
    %lt3A_681 = arith.cmpf olt, %select_n3A_592, %select_n3A_589 : vector<256x128xf32>
    %select_n3A_682 = arith.select %lt3A_681, %select_n3A_592, %select_n3A_589 : vector<256x128xi1>, vector<256x128xf32>
    %select_n3A_683 = arith.select %lt3A_681, %select_n3A_593, %select_n3A_590 : vector<256x128xi1>, vector<256x128xi32>
    %lt3A_684 = arith.cmpf olt, %select_n3A_598, %select_n3A_595 : vector<256x128xf32>
    %select_n3A_685 = arith.select %lt3A_684, %select_n3A_598, %select_n3A_595 : vector<256x128xi1>, vector<256x128xf32>
    %select_n3A_686 = arith.select %lt3A_684, %select_n3A_599, %select_n3A_596 : vector<256x128xi1>, vector<256x128xi32>
    %lt3A_687 = arith.cmpf olt, %select_n3A_604, %select_n3A_601 : vector<256x128xf32>
    %select_n3A_688 = arith.select %lt3A_687, %select_n3A_604, %select_n3A_601 : vector<256x128xi1>, vector<256x128xf32>
    %select_n3A_689 = arith.select %lt3A_687, %select_n3A_605, %select_n3A_602 : vector<256x128xi1>, vector<256x128xi32>
    %lt3A_690 = arith.cmpf olt, %select_n3A_610, %select_n3A_607 : vector<256x128xf32>
    %select_n3A_691 = arith.select %lt3A_690, %select_n3A_610, %select_n3A_607 : vector<256x128xi1>, vector<256x128xf32>
    %select_n3A_692 = arith.select %lt3A_690, %select_n3A_611, %select_n3A_608 : vector<256x128xi1>, vector<256x128xi32>
    %lt3A_693 = arith.cmpf olt, %select_n3A_616, %select_n3A_613 : vector<256x128xf32>
    %select_n3A_694 = arith.select %lt3A_693, %select_n3A_616, %select_n3A_613 : vector<256x128xi1>, vector<256x128xf32>
    %select_n3A_695 = arith.select %lt3A_693, %select_n3A_617, %select_n3A_614 : vector<256x128xi1>, vector<256x128xi32>
    %lt3A_696 = arith.cmpf olt, %select_n3A_622, %select_n3A_619 : vector<256x128xf32>
    %select_n3A_697 = arith.select %lt3A_696, %select_n3A_622, %select_n3A_619 : vector<256x128xi1>, vector<256x128xf32>
    %select_n3A_698 = arith.select %lt3A_696, %select_n3A_623, %select_n3A_620 : vector<256x128xi1>, vector<256x128xi32>
    %lt3A_699 = arith.cmpf olt, %select_n3A_628, %select_n3A_625 : vector<256x128xf32>
    %select_n3A_700 = arith.select %lt3A_699, %select_n3A_628, %select_n3A_625 : vector<256x128xi1>, vector<256x128xf32>
    %select_n3A_701 = arith.select %lt3A_699, %select_n3A_629, %select_n3A_626 : vector<256x128xi1>, vector<256x128xi32>
    %lt3A_702 = arith.cmpf olt, %select_n3A_634, %select_n3A_631 : vector<256x128xf32>
    %select_n3A_703 = arith.select %lt3A_702, %select_n3A_634, %select_n3A_631 : vector<256x128xi1>, vector<256x128xf32>
    %select_n3A_704 = arith.select %lt3A_702, %select_n3A_635, %select_n3A_632 : vector<256x128xi1>, vector<256x128xi32>
    %lt3A_705 = arith.cmpf olt, %select_n3A_640, %select_n3A_637 : vector<256x128xf32>
    %select_n3A_706 = arith.select %lt3A_705, %select_n3A_640, %select_n3A_637 : vector<256x128xi1>, vector<256x128xf32>
    %select_n3A_707 = arith.select %lt3A_705, %select_n3A_641, %select_n3A_638 : vector<256x128xi1>, vector<256x128xi32>
    %lt3A_708 = arith.cmpf olt, %select_n3A_646, %select_n3A_643 : vector<256x128xf32>
    %select_n3A_709 = arith.select %lt3A_708, %select_n3A_646, %select_n3A_643 : vector<256x128xi1>, vector<256x128xf32>
    %select_n3A_710 = arith.select %lt3A_708, %select_n3A_647, %select_n3A_644 : vector<256x128xi1>, vector<256x128xi32>
    %lt3A_711 = arith.cmpf olt, %select_n3A_652, %select_n3A_649 : vector<256x128xf32>
    %select_n3A_712 = arith.select %lt3A_711, %select_n3A_652, %select_n3A_649 : vector<256x128xi1>, vector<256x128xf32>
    %select_n3A_713 = arith.select %lt3A_711, %select_n3A_653, %select_n3A_650 : vector<256x128xi1>, vector<256x128xi32>
    %lt3A_714 = arith.cmpf olt, %select_n3A_658, %select_n3A_655 : vector<256x128xf32>
    %select_n3A_715 = arith.select %lt3A_714, %select_n3A_658, %select_n3A_655 : vector<256x128xi1>, vector<256x128xf32>
    %select_n3A_716 = arith.select %lt3A_714, %select_n3A_659, %select_n3A_656 : vector<256x128xi1>, vector<256x128xi32>
    %lt3A_717 = arith.cmpf olt, %select_n3A_664, %select_n3A_661 : vector<256x128xf32>
    %select_n3A_718 = arith.select %lt3A_717, %select_n3A_664, %select_n3A_661 : vector<256x128xi1>, vector<256x128xf32>
    %select_n3A_719 = arith.select %lt3A_717, %select_n3A_665, %select_n3A_662 : vector<256x128xi1>, vector<256x128xi32>
    %lt3A_720 = arith.cmpf olt, %select_n3A_670, %select_n3A_667 : vector<256x128xf32>
    %select_n3A_721 = arith.select %lt3A_720, %select_n3A_670, %select_n3A_667 : vector<256x128xi1>, vector<256x128xf32>
    %select_n3A_722 = arith.select %lt3A_720, %select_n3A_671, %select_n3A_668 : vector<256x128xi1>, vector<256x128xi32>
    %lt3A_723 = arith.cmpf olt, %select_n3A_676, %select_n3A_673 : vector<256x128xf32>
    %select_n3A_724 = arith.select %lt3A_723, %select_n3A_676, %select_n3A_673 : vector<256x128xi1>, vector<256x128xf32>
    %select_n3A_725 = arith.select %lt3A_723, %select_n3A_677, %select_n3A_674 : vector<256x128xi1>, vector<256x128xi32>
    %lt3A_726 = arith.cmpf olt, %select_n3A_682, %select_n3A_679 : vector<256x128xf32>
    %select_n3A_727 = arith.select %lt3A_726, %select_n3A_682, %select_n3A_679 : vector<256x128xi1>, vector<256x128xf32>
    %select_n3A_728 = arith.select %lt3A_726, %select_n3A_683, %select_n3A_680 : vector<256x128xi1>, vector<256x128xi32>
    %lt3A_729 = arith.cmpf olt, %select_n3A_688, %select_n3A_685 : vector<256x128xf32>
    %select_n3A_730 = arith.select %lt3A_729, %select_n3A_688, %select_n3A_685 : vector<256x128xi1>, vector<256x128xf32>
    %select_n3A_731 = arith.select %lt3A_729, %select_n3A_689, %select_n3A_686 : vector<256x128xi1>, vector<256x128xi32>
    %lt3A_732 = arith.cmpf olt, %select_n3A_694, %select_n3A_691 : vector<256x128xf32>
    %select_n3A_733 = arith.select %lt3A_732, %select_n3A_694, %select_n3A_691 : vector<256x128xi1>, vector<256x128xf32>
    %select_n3A_734 = arith.select %lt3A_732, %select_n3A_695, %select_n3A_692 : vector<256x128xi1>, vector<256x128xi32>
    %lt3A_735 = arith.cmpf olt, %select_n3A_700, %select_n3A_697 : vector<256x128xf32>
    %select_n3A_736 = arith.select %lt3A_735, %select_n3A_700, %select_n3A_697 : vector<256x128xi1>, vector<256x128xf32>
    %select_n3A_737 = arith.select %lt3A_735, %select_n3A_701, %select_n3A_698 : vector<256x128xi1>, vector<256x128xi32>
    %lt3A_738 = arith.cmpf olt, %select_n3A_706, %select_n3A_703 : vector<256x128xf32>
    %select_n3A_739 = arith.select %lt3A_738, %select_n3A_706, %select_n3A_703 : vector<256x128xi1>, vector<256x128xf32>
    %select_n3A_740 = arith.select %lt3A_738, %select_n3A_707, %select_n3A_704 : vector<256x128xi1>, vector<256x128xi32>
    %lt3A_741 = arith.cmpf olt, %select_n3A_712, %select_n3A_709 : vector<256x128xf32>
    %select_n3A_742 = arith.select %lt3A_741, %select_n3A_712, %select_n3A_709 : vector<256x128xi1>, vector<256x128xf32>
    %select_n3A_743 = arith.select %lt3A_741, %select_n3A_713, %select_n3A_710 : vector<256x128xi1>, vector<256x128xi32>
    %lt3A_744 = arith.cmpf olt, %select_n3A_718, %select_n3A_715 : vector<256x128xf32>
    %select_n3A_745 = arith.select %lt3A_744, %select_n3A_718, %select_n3A_715 : vector<256x128xi1>, vector<256x128xf32>
    %select_n3A_746 = arith.select %lt3A_744, %select_n3A_719, %select_n3A_716 : vector<256x128xi1>, vector<256x128xi32>
    %lt3A_747 = arith.cmpf olt, %select_n3A_724, %select_n3A_721 : vector<256x128xf32>
    %select_n3A_748 = arith.select %lt3A_747, %select_n3A_724, %select_n3A_721 : vector<256x128xi1>, vector<256x128xf32>
    %select_n3A_749 = arith.select %lt3A_747, %select_n3A_725, %select_n3A_722 : vector<256x128xi1>, vector<256x128xi32>
    %lt3A_750 = arith.cmpf olt, %select_n3A_730, %select_n3A_727 : vector<256x128xf32>
    %select_n3A_751 = arith.select %lt3A_750, %select_n3A_730, %select_n3A_727 : vector<256x128xi1>, vector<256x128xf32>
    %select_n3A_752 = arith.select %lt3A_750, %select_n3A_731, %select_n3A_728 : vector<256x128xi1>, vector<256x128xi32>
    %lt3A_753 = arith.cmpf olt, %select_n3A_736, %select_n3A_733 : vector<256x128xf32>
    %select_n3A_754 = arith.select %lt3A_753, %select_n3A_736, %select_n3A_733 : vector<256x128xi1>, vector<256x128xf32>
    %select_n3A_755 = arith.select %lt3A_753, %select_n3A_737, %select_n3A_734 : vector<256x128xi1>, vector<256x128xi32>
    %lt3A_756 = arith.cmpf olt, %select_n3A_742, %select_n3A_739 : vector<256x128xf32>
    %select_n3A_757 = arith.select %lt3A_756, %select_n3A_742, %select_n3A_739 : vector<256x128xi1>, vector<256x128xf32>
    %select_n3A_758 = arith.select %lt3A_756, %select_n3A_743, %select_n3A_740 : vector<256x128xi1>, vector<256x128xi32>
    %lt3A_759 = arith.cmpf olt, %select_n3A_748, %select_n3A_745 : vector<256x128xf32>
    %select_n3A_760 = arith.select %lt3A_759, %select_n3A_748, %select_n3A_745 : vector<256x128xi1>, vector<256x128xf32>
    %select_n3A_761 = arith.select %lt3A_759, %select_n3A_749, %select_n3A_746 : vector<256x128xi1>, vector<256x128xi32>
    %lt3A_762 = arith.cmpf olt, %select_n3A_754, %select_n3A_751 : vector<256x128xf32>
    %select_n3A_763 = arith.select %lt3A_762, %select_n3A_754, %select_n3A_751 : vector<256x128xi1>, vector<256x128xf32>
    %select_n3A_764 = arith.select %lt3A_762, %select_n3A_755, %select_n3A_752 : vector<256x128xi1>, vector<256x128xi32>
    %lt3A_765 = arith.cmpf olt, %select_n3A_760, %select_n3A_757 : vector<256x128xf32>
    %select_n3A_766 = arith.select %lt3A_765, %select_n3A_760, %select_n3A_757 : vector<256x128xi1>, vector<256x128xf32>
    %select_n3A_767 = arith.select %lt3A_765, %select_n3A_761, %select_n3A_758 : vector<256x128xi1>, vector<256x128xi32>
    %lt3A_768 = arith.cmpf olt, %select_n3A_766, %select_n3A_763 : vector<256x128xf32>
    %select_n3A_769 = arith.select %lt3A_768, %select_n3A_766, %select_n3A_763 : vector<256x128xi1>, vector<256x128xf32>
    %select_n3A_770 = arith.select %lt3A_768, %select_n3A_767, %select_n3A_764 : vector<256x128xi1>, vector<256x128xi32>
    %eq3A = arith.constant 0 : i32
    %eq3A_771 = arith.cmpi eq, %arg1, %eq3A : i32
    %convert_element_type3A_772 = arith.extui %eq3A_771 : i1 to i32
    %cond3A = arith.constant 0 : i32
    %cond3A_773 = arith.cmpi ne, %convert_element_type3A_772, %cond3A : i32
    scf.if %cond3A_773 {
      %swap3A = arith.constant 0 : index
      %swap3A_1174 = arith.constant 0 : index
      %swap3A_1175 = vector.load %arg6[%swap3A, %swap3A_1174] : memref<256x128xf32, #tpu.memory_space<vmem>>, vector<256x128xf32>
      tpu.vector_store %arg6[%swap3A, %swap3A_1174], %select_n3A_769 {strides = array<i32>} : memref<256x128xf32, #tpu.memory_space<vmem>>, vector<256x128xf32>,
      %swap3A_1176 = arith.constant 0 : index
      %swap3A_1177 = arith.constant 0 : index
      %swap3A_1178 = vector.load %arg7[%swap3A_1176, %swap3A_1177] : memref<256x128xi32, #tpu.memory_space<vmem>>, vector<256x128xi32>
      tpu.vector_store %arg7[%swap3A_1176, %swap3A_1177], %select_n3A_770 {strides = array<i32>} : memref<256x128xi32, #tpu.memory_space<vmem>>, vector<256x128xi32>,
    } else {
    }
    %gt3A = arith.constant 0 : i32
    %gt3A_774 = arith.cmpi sgt, %arg1, %gt3A : i32
    %convert_element_type3A_775 = arith.extui %gt3A_774 : i1 to i32
    %cond3A_776 = arith.constant 0 : i32
    %cond3A_777 = arith.cmpi ne, %convert_element_type3A_775, %cond3A_776 : i32
    scf.if %cond3A_777 {
      %get3A_1174 = arith.constant 0 : index
      %get3A_1175 = arith.constant 0 : index
      %get3A_1176 = vector.load %arg6[%get3A_1174, %get3A_1175] : memref<256x128xf32, #tpu.memory_space<vmem>>, vector<256x128xf32>
      %get3A_1177 = arith.constant 0 : index
      %get3A_1178 = arith.constant 0 : index
      %get3A_1179 = vector.load %arg7[%get3A_1177, %get3A_1178] : memref<256x128xi32, #tpu.memory_space<vmem>>, vector<256x128xi32>
      %lt3A_1180 = arith.cmpf olt, %select_n3A_769, %get3A_1176 : vector<256x128xf32>
      %select_n3A_1181 = arith.select %lt3A_1180, %select_n3A_769, %get3A_1176 : vector<256x128xi1>, vector<256x128xf32>
      %select_n3A_1182 = arith.select %lt3A_1180, %select_n3A_770, %get3A_1179 : vector<256x128xi1>, vector<256x128xi32>
      %swap3A = arith.constant 0 : index
      %swap3A_1183 = arith.constant 0 : index
      %swap3A_1184 = vector.load %arg6[%swap3A, %swap3A_1183] : memref<256x128xf32, #tpu.memory_space<vmem>>, vector<256x128xf32>
      tpu.vector_store %arg6[%swap3A, %swap3A_1183], %select_n3A_1181 {strides = array<i32>} : memref<256x128xf32, #tpu.memory_space<vmem>>, vector<256x128xf32>,
      %swap3A_1185 = arith.constant 0 : index
      %swap3A_1186 = arith.constant 0 : index
      %swap3A_1187 = vector.load %arg7[%swap3A_1185, %swap3A_1186] : memref<256x128xi32, #tpu.memory_space<vmem>>, vector<256x128xi32>
      tpu.vector_store %arg7[%swap3A_1185, %swap3A_1186], %select_n3A_1182 {strides = array<i32>} : memref<256x128xi32, #tpu.memory_space<vmem>>, vector<256x128xi32>,
    } else {
    }
    %slice3A_778 = vector.extract_strided_slice %get3A_12 {offsets = [0, 0], sizes = [8, 1], strides = [1, 1]} : vector<256x1xf32> to vector<8x1xf32>
    %slice3A_779 = vector.extract_strided_slice %dot_general3A_6 {offsets = [0, 0], sizes = [8, 8192], strides = [1, 1]} : vector<256x8192xf32> to vector<8x8192xf32>
    %sub3A_780 = vector.broadcast %slice3A_778 : vector<8x1xf32> to vector<8x8192xf32>
    %sub3A_781 = arith.subf %sub3A_780, %slice3A_779 : vector<8x8192xf32>
    %mul3A_782 = arith.constant 32 : i32
    %mul3A_783 = arith.muli %arg0, %mul3A_782 : i32
    %add3A_784 = arith.constant 0 : i32
    %add3A_785 = arith.addi %mul3A_783, %add3A_784 : i32
    %broadcast_in_dim3A_786 = vector.broadcast %add3A_785 : i32 to vector<8x8192xi32>
    %slice3A_787 = vector.extract_strided_slice %get3A_12 {offsets = [8, 0], sizes = [8, 1], strides = [1, 1]} : vector<256x1xf32> to vector<8x1xf32>
    %slice3A_788 = vector.extract_strided_slice %dot_general3A_6 {offsets = [8, 0], sizes = [8, 8192], strides = [1, 1]} : vector<256x8192xf32> to vector<8x8192xf32>
    %sub3A_789 = vector.broadcast %slice3A_787 : vector<8x1xf32> to vector<8x8192xf32>
    %sub3A_790 = arith.subf %sub3A_789, %slice3A_788 : vector<8x8192xf32>
    %mul3A_791 = arith.constant 32 : i32
    %mul3A_792 = arith.muli %arg0, %mul3A_791 : i32
    %add3A_793 = arith.constant 1 : i32
    %add3A_794 = arith.addi %mul3A_792, %add3A_793 : i32
    %broadcast_in_dim3A_795 = vector.broadcast %add3A_794 : i32 to vector<8x8192xi32>
    %slice3A_796 = vector.extract_strided_slice %get3A_12 {offsets = [16, 0], sizes = [8, 1], strides = [1, 1]} : vector<256x1xf32> to vector<8x1xf32>
    %slice3A_797 = vector.extract_strided_slice %dot_general3A_6 {offsets = [16, 0], sizes = [8, 8192], strides = [1, 1]} : vector<256x8192xf32> to vector<8x8192xf32>
    %sub3A_798 = vector.broadcast %slice3A_796 : vector<8x1xf32> to vector<8x8192xf32>
    %sub3A_799 = arith.subf %sub3A_798, %slice3A_797 : vector<8x8192xf32>
    %mul3A_800 = arith.constant 32 : i32
    %mul3A_801 = arith.muli %arg0, %mul3A_800 : i32
    %add3A_802 = arith.constant 2 : i32
    %add3A_803 = arith.addi %mul3A_801, %add3A_802 : i32
    %broadcast_in_dim3A_804 = vector.broadcast %add3A_803 : i32 to vector<8x8192xi32>
    %slice3A_805 = vector.extract_strided_slice %get3A_12 {offsets = [24, 0], sizes = [8, 1], strides = [1, 1]} : vector<256x1xf32> to vector<8x1xf32>
    %slice3A_806 = vector.extract_strided_slice %dot_general3A_6 {offsets = [24, 0], sizes = [8, 8192], strides = [1, 1]} : vector<256x8192xf32> to vector<8x8192xf32>
    %sub3A_807 = vector.broadcast %slice3A_805 : vector<8x1xf32> to vector<8x8192xf32>
    %sub3A_808 = arith.subf %sub3A_807, %slice3A_806 : vector<8x8192xf32>
    %mul3A_809 = arith.constant 32 : i32
    %mul3A_810 = arith.muli %arg0, %mul3A_809 : i32
    %add3A_811 = arith.constant 3 : i32
    %add3A_812 = arith.addi %mul3A_810, %add3A_811 : i32
    %broadcast_in_dim3A_813 = vector.broadcast %add3A_812 : i32 to vector<8x8192xi32>
    %slice3A_814 = vector.extract_strided_slice %get3A_12 {offsets = [32, 0], sizes = [8, 1], strides = [1, 1]} : vector<256x1xf32> to vector<8x1xf32>
    %slice3A_815 = vector.extract_strided_slice %dot_general3A_6 {offsets = [32, 0], sizes = [8, 8192], strides = [1, 1]} : vector<256x8192xf32> to vector<8x8192xf32>
    %sub3A_816 = vector.broadcast %slice3A_814 : vector<8x1xf32> to vector<8x8192xf32>
    %sub3A_817 = arith.subf %sub3A_816, %slice3A_815 : vector<8x8192xf32>
    %mul3A_818 = arith.constant 32 : i32
    %mul3A_819 = arith.muli %arg0, %mul3A_818 : i32
    %add3A_820 = arith.constant 4 : i32
    %add3A_821 = arith.addi %mul3A_819, %add3A_820 : i32
    %broadcast_in_dim3A_822 = vector.broadcast %add3A_821 : i32 to vector<8x8192xi32>
    %slice3A_823 = vector.extract_strided_slice %get3A_12 {offsets = [40, 0], sizes = [8, 1], strides = [1, 1]} : vector<256x1xf32> to vector<8x1xf32>
    %slice3A_824 = vector.extract_strided_slice %dot_general3A_6 {offsets = [40, 0], sizes = [8, 8192], strides = [1, 1]} : vector<256x8192xf32> to vector<8x8192xf32>
    %sub3A_825 = vector.broadcast %slice3A_823 : vector<8x1xf32> to vector<8x8192xf32>
    %sub3A_826 = arith.subf %sub3A_825, %slice3A_824 : vector<8x8192xf32>
    %mul3A_827 = arith.constant 32 : i32
    %mul3A_828 = arith.muli %arg0, %mul3A_827 : i32
    %add3A_829 = arith.constant 5 : i32
    %add3A_830 = arith.addi %mul3A_828, %add3A_829 : i32
    %broadcast_in_dim3A_831 = vector.broadcast %add3A_830 : i32 to vector<8x8192xi32>
    %slice3A_832 = vector.extract_strided_slice %get3A_12 {offsets = [48, 0], sizes = [8, 1], strides = [1, 1]} : vector<256x1xf32> to vector<8x1xf32>
    %slice3A_833 = vector.extract_strided_slice %dot_general3A_6 {offsets = [48, 0], sizes = [8, 8192], strides = [1, 1]} : vector<256x8192xf32> to vector<8x8192xf32>
    %sub3A_834 = vector.broadcast %slice3A_832 : vector<8x1xf32> to vector<8x8192xf32>
    %sub3A_835 = arith.subf %sub3A_834, %slice3A_833 : vector<8x8192xf32>
    %mul3A_836 = arith.constant 32 : i32
    %mul3A_837 = arith.muli %arg0, %mul3A_836 : i32
    %add3A_838 = arith.constant 6 : i32
    %add3A_839 = arith.addi %mul3A_837, %add3A_838 : i32
    %broadcast_in_dim3A_840 = vector.broadcast %add3A_839 : i32 to vector<8x8192xi32>
    %slice3A_841 = vector.extract_strided_slice %get3A_12 {offsets = [56, 0], sizes = [8, 1], strides = [1, 1]} : vector<256x1xf32> to vector<8x1xf32>
    %slice3A_842 = vector.extract_strided_slice %dot_general3A_6 {offsets = [56, 0], sizes = [8, 8192], strides = [1, 1]} : vector<256x8192xf32> to vector<8x8192xf32>
    %sub3A_843 = vector.broadcast %slice3A_841 : vector<8x1xf32> to vector<8x8192xf32>
    %sub3A_844 = arith.subf %sub3A_843, %slice3A_842 : vector<8x8192xf32>
    %mul3A_845 = arith.constant 32 : i32
    %mul3A_846 = arith.muli %arg0, %mul3A_845 : i32
    %add3A_847 = arith.constant 7 : i32
    %add3A_848 = arith.addi %mul3A_846, %add3A_847 : i32
    %broadcast_in_dim3A_849 = vector.broadcast %add3A_848 : i32 to vector<8x8192xi32>
    %slice3A_850 = vector.extract_strided_slice %get3A_12 {offsets = [64, 0], sizes = [8, 1], strides = [1, 1]} : vector<256x1xf32> to vector<8x1xf32>
    %slice3A_851 = vector.extract_strided_slice %dot_general3A_6 {offsets = [64, 0], sizes = [8, 8192], strides = [1, 1]} : vector<256x8192xf32> to vector<8x8192xf32>
    %sub3A_852 = vector.broadcast %slice3A_850 : vector<8x1xf32> to vector<8x8192xf32>
    %sub3A_853 = arith.subf %sub3A_852, %slice3A_851 : vector<8x8192xf32>
    %mul3A_854 = arith.constant 32 : i32
    %mul3A_855 = arith.muli %arg0, %mul3A_854 : i32
    %add3A_856 = arith.constant 8 : i32
    %add3A_857 = arith.addi %mul3A_855, %add3A_856 : i32
    %broadcast_in_dim3A_858 = vector.broadcast %add3A_857 : i32 to vector<8x8192xi32>
    %slice3A_859 = vector.extract_strided_slice %get3A_12 {offsets = [72, 0], sizes = [8, 1], strides = [1, 1]} : vector<256x1xf32> to vector<8x1xf32>
    %slice3A_860 = vector.extract_strided_slice %dot_general3A_6 {offsets = [72, 0], sizes = [8, 8192], strides = [1, 1]} : vector<256x8192xf32> to vector<8x8192xf32>
    %sub3A_861 = vector.broadcast %slice3A_859 : vector<8x1xf32> to vector<8x8192xf32>
    %sub3A_862 = arith.subf %sub3A_861, %slice3A_860 : vector<8x8192xf32>
    %mul3A_863 = arith.constant 32 : i32
    %mul3A_864 = arith.muli %arg0, %mul3A_863 : i32
    %add3A_865 = arith.constant 9 : i32
    %add3A_866 = arith.addi %mul3A_864, %add3A_865 : i32
    %broadcast_in_dim3A_867 = vector.broadcast %add3A_866 : i32 to vector<8x8192xi32>
    %slice3A_868 = vector.extract_strided_slice %get3A_12 {offsets = [80, 0], sizes = [8, 1], strides = [1, 1]} : vector<256x1xf32> to vector<8x1xf32>
    %slice3A_869 = vector.extract_strided_slice %dot_general3A_6 {offsets = [80, 0], sizes = [8, 8192], strides = [1, 1]} : vector<256x8192xf32> to vector<8x8192xf32>
    %sub3A_870 = vector.broadcast %slice3A_868 : vector<8x1xf32> to vector<8x8192xf32>
    %sub3A_871 = arith.subf %sub3A_870, %slice3A_869 : vector<8x8192xf32>
    %mul3A_872 = arith.constant 32 : i32
    %mul3A_873 = arith.muli %arg0, %mul3A_872 : i32
    %add3A_874 = arith.constant 10 : i32
    %add3A_875 = arith.addi %mul3A_873, %add3A_874 : i32
    %broadcast_in_dim3A_876 = vector.broadcast %add3A_875 : i32 to vector<8x8192xi32>
    %slice3A_877 = vector.extract_strided_slice %get3A_12 {offsets = [88, 0], sizes = [8, 1], strides = [1, 1]} : vector<256x1xf32> to vector<8x1xf32>
    %slice3A_878 = vector.extract_strided_slice %dot_general3A_6 {offsets = [88, 0], sizes = [8, 8192], strides = [1, 1]} : vector<256x8192xf32> to vector<8x8192xf32>
    %sub3A_879 = vector.broadcast %slice3A_877 : vector<8x1xf32> to vector<8x8192xf32>
    %sub3A_880 = arith.subf %sub3A_879, %slice3A_878 : vector<8x8192xf32>
    %mul3A_881 = arith.constant 32 : i32
    %mul3A_882 = arith.muli %arg0, %mul3A_881 : i32
    %add3A_883 = arith.constant 11 : i32
    %add3A_884 = arith.addi %mul3A_882, %add3A_883 : i32
    %broadcast_in_dim3A_885 = vector.broadcast %add3A_884 : i32 to vector<8x8192xi32>
    %slice3A_886 = vector.extract_strided_slice %get3A_12 {offsets = [96, 0], sizes = [8, 1], strides = [1, 1]} : vector<256x1xf32> to vector<8x1xf32>
    %slice3A_887 = vector.extract_strided_slice %dot_general3A_6 {offsets = [96, 0], sizes = [8, 8192], strides = [1, 1]} : vector<256x8192xf32> to vector<8x8192xf32>
    %sub3A_888 = vector.broadcast %slice3A_886 : vector<8x1xf32> to vector<8x8192xf32>
    %sub3A_889 = arith.subf %sub3A_888, %slice3A_887 : vector<8x8192xf32>
    %mul3A_890 = arith.constant 32 : i32
    %mul3A_891 = arith.muli %arg0, %mul3A_890 : i32
    %add3A_892 = arith.constant 12 : i32
    %add3A_893 = arith.addi %mul3A_891, %add3A_892 : i32
    %broadcast_in_dim3A_894 = vector.broadcast %add3A_893 : i32 to vector<8x8192xi32>
    %slice3A_895 = vector.extract_strided_slice %get3A_12 {offsets = [104, 0], sizes = [8, 1], strides = [1, 1]} : vector<256x1xf32> to vector<8x1xf32>
    %slice3A_896 = vector.extract_strided_slice %dot_general3A_6 {offsets = [104, 0], sizes = [8, 8192], strides = [1, 1]} : vector<256x8192xf32> to vector<8x8192xf32>
    %sub3A_897 = vector.broadcast %slice3A_895 : vector<8x1xf32> to vector<8x8192xf32>
    %sub3A_898 = arith.subf %sub3A_897, %slice3A_896 : vector<8x8192xf32>
    %mul3A_899 = arith.constant 32 : i32
    %mul3A_900 = arith.muli %arg0, %mul3A_899 : i32
    %add3A_901 = arith.constant 13 : i32
    %add3A_902 = arith.addi %mul3A_900, %add3A_901 : i32
    %broadcast_in_dim3A_903 = vector.broadcast %add3A_902 : i32 to vector<8x8192xi32>
    %slice3A_904 = vector.extract_strided_slice %get3A_12 {offsets = [112, 0], sizes = [8, 1], strides = [1, 1]} : vector<256x1xf32> to vector<8x1xf32>
    %slice3A_905 = vector.extract_strided_slice %dot_general3A_6 {offsets = [112, 0], sizes = [8, 8192], strides = [1, 1]} : vector<256x8192xf32> to vector<8x8192xf32>
    %sub3A_906 = vector.broadcast %slice3A_904 : vector<8x1xf32> to vector<8x8192xf32>
    %sub3A_907 = arith.subf %sub3A_906, %slice3A_905 : vector<8x8192xf32>
    %mul3A_908 = arith.constant 32 : i32
    %mul3A_909 = arith.muli %arg0, %mul3A_908 : i32
    %add3A_910 = arith.constant 14 : i32
    %add3A_911 = arith.addi %mul3A_909, %add3A_910 : i32
    %broadcast_in_dim3A_912 = vector.broadcast %add3A_911 : i32 to vector<8x8192xi32>
    %slice3A_913 = vector.extract_strided_slice %get3A_12 {offsets = [120, 0], sizes = [8, 1], strides = [1, 1]} : vector<256x1xf32> to vector<8x1xf32>
    %slice3A_914 = vector.extract_strided_slice %dot_general3A_6 {offsets = [120, 0], sizes = [8, 8192], strides = [1, 1]} : vector<256x8192xf32> to vector<8x8192xf32>
    %sub3A_915 = vector.broadcast %slice3A_913 : vector<8x1xf32> to vector<8x8192xf32>
    %sub3A_916 = arith.subf %sub3A_915, %slice3A_914 : vector<8x8192xf32>
    %mul3A_917 = arith.constant 32 : i32
    %mul3A_918 = arith.muli %arg0, %mul3A_917 : i32
    %add3A_919 = arith.constant 15 : i32
    %add3A_920 = arith.addi %mul3A_918, %add3A_919 : i32
    %broadcast_in_dim3A_921 = vector.broadcast %add3A_920 : i32 to vector<8x8192xi32>
    %slice3A_922 = vector.extract_strided_slice %get3A_12 {offsets = [128, 0], sizes = [8, 1], strides = [1, 1]} : vector<256x1xf32> to vector<8x1xf32>
    %slice3A_923 = vector.extract_strided_slice %dot_general3A_6 {offsets = [128, 0], sizes = [8, 8192], strides = [1, 1]} : vector<256x8192xf32> to vector<8x8192xf32>
    %sub3A_924 = vector.broadcast %slice3A_922 : vector<8x1xf32> to vector<8x8192xf32>
    %sub3A_925 = arith.subf %sub3A_924, %slice3A_923 : vector<8x8192xf32>
    %mul3A_926 = arith.constant 32 : i32
    %mul3A_927 = arith.muli %arg0, %mul3A_926 : i32
    %add3A_928 = arith.constant 16 : i32
    %add3A_929 = arith.addi %mul3A_927, %add3A_928 : i32
    %broadcast_in_dim3A_930 = vector.broadcast %add3A_929 : i32 to vector<8x8192xi32>
    %slice3A_931 = vector.extract_strided_slice %get3A_12 {offsets = [136, 0], sizes = [8, 1], strides = [1, 1]} : vector<256x1xf32> to vector<8x1xf32>
    %slice3A_932 = vector.extract_strided_slice %dot_general3A_6 {offsets = [136, 0], sizes = [8, 8192], strides = [1, 1]} : vector<256x8192xf32> to vector<8x8192xf32>
    %sub3A_933 = vector.broadcast %slice3A_931 : vector<8x1xf32> to vector<8x8192xf32>
    %sub3A_934 = arith.subf %sub3A_933, %slice3A_932 : vector<8x8192xf32>
    %mul3A_935 = arith.constant 32 : i32
    %mul3A_936 = arith.muli %arg0, %mul3A_935 : i32
    %add3A_937 = arith.constant 17 : i32
    %add3A_938 = arith.addi %mul3A_936, %add3A_937 : i32
    %broadcast_in_dim3A_939 = vector.broadcast %add3A_938 : i32 to vector<8x8192xi32>
    %slice3A_940 = vector.extract_strided_slice %get3A_12 {offsets = [144, 0], sizes = [8, 1], strides = [1, 1]} : vector<256x1xf32> to vector<8x1xf32>
    %slice3A_941 = vector.extract_strided_slice %dot_general3A_6 {offsets = [144, 0], sizes = [8, 8192], strides = [1, 1]} : vector<256x8192xf32> to vector<8x8192xf32>
    %sub3A_942 = vector.broadcast %slice3A_940 : vector<8x1xf32> to vector<8x8192xf32>
    %sub3A_943 = arith.subf %sub3A_942, %slice3A_941 : vector<8x8192xf32>
    %mul3A_944 = arith.constant 32 : i32
    %mul3A_945 = arith.muli %arg0, %mul3A_944 : i32
    %add3A_946 = arith.constant 18 : i32
    %add3A_947 = arith.addi %mul3A_945, %add3A_946 : i32
    %broadcast_in_dim3A_948 = vector.broadcast %add3A_947 : i32 to vector<8x8192xi32>
    %slice3A_949 = vector.extract_strided_slice %get3A_12 {offsets = [152, 0], sizes = [8, 1], strides = [1, 1]} : vector<256x1xf32> to vector<8x1xf32>
    %slice3A_950 = vector.extract_strided_slice %dot_general3A_6 {offsets = [152, 0], sizes = [8, 8192], strides = [1, 1]} : vector<256x8192xf32> to vector<8x8192xf32>
    %sub3A_951 = vector.broadcast %slice3A_949 : vector<8x1xf32> to vector<8x8192xf32>
    %sub3A_952 = arith.subf %sub3A_951, %slice3A_950 : vector<8x8192xf32>
    %mul3A_953 = arith.constant 32 : i32
    %mul3A_954 = arith.muli %arg0, %mul3A_953 : i32
    %add3A_955 = arith.constant 19 : i32
    %add3A_956 = arith.addi %mul3A_954, %add3A_955 : i32
    %broadcast_in_dim3A_957 = vector.broadcast %add3A_956 : i32 to vector<8x8192xi32>
    %slice3A_958 = vector.extract_strided_slice %get3A_12 {offsets = [160, 0], sizes = [8, 1], strides = [1, 1]} : vector<256x1xf32> to vector<8x1xf32>
    %slice3A_959 = vector.extract_strided_slice %dot_general3A_6 {offsets = [160, 0], sizes = [8, 8192], strides = [1, 1]} : vector<256x8192xf32> to vector<8x8192xf32>
    %sub3A_960 = vector.broadcast %slice3A_958 : vector<8x1xf32> to vector<8x8192xf32>
    %sub3A_961 = arith.subf %sub3A_960, %slice3A_959 : vector<8x8192xf32>
    %mul3A_962 = arith.constant 32 : i32
    %mul3A_963 = arith.muli %arg0, %mul3A_962 : i32
    %add3A_964 = arith.constant 20 : i32
    %add3A_965 = arith.addi %mul3A_963, %add3A_964 : i32
    %broadcast_in_dim3A_966 = vector.broadcast %add3A_965 : i32 to vector<8x8192xi32>
    %slice3A_967 = vector.extract_strided_slice %get3A_12 {offsets = [168, 0], sizes = [8, 1], strides = [1, 1]} : vector<256x1xf32> to vector<8x1xf32>
    %slice3A_968 = vector.extract_strided_slice %dot_general3A_6 {offsets = [168, 0], sizes = [8, 8192], strides = [1, 1]} : vector<256x8192xf32> to vector<8x8192xf32>
    %sub3A_969 = vector.broadcast %slice3A_967 : vector<8x1xf32> to vector<8x8192xf32>
    %sub3A_970 = arith.subf %sub3A_969, %slice3A_968 : vector<8x8192xf32>
    %mul3A_971 = arith.constant 32 : i32
    %mul3A_972 = arith.muli %arg0, %mul3A_971 : i32
    %add3A_973 = arith.constant 21 : i32
    %add3A_974 = arith.addi %mul3A_972, %add3A_973 : i32
    %broadcast_in_dim3A_975 = vector.broadcast %add3A_974 : i32 to vector<8x8192xi32>
    %slice3A_976 = vector.extract_strided_slice %get3A_12 {offsets = [176, 0], sizes = [8, 1], strides = [1, 1]} : vector<256x1xf32> to vector<8x1xf32>
    %slice3A_977 = vector.extract_strided_slice %dot_general3A_6 {offsets = [176, 0], sizes = [8, 8192], strides = [1, 1]} : vector<256x8192xf32> to vector<8x8192xf32>
    %sub3A_978 = vector.broadcast %slice3A_976 : vector<8x1xf32> to vector<8x8192xf32>
    %sub3A_979 = arith.subf %sub3A_978, %slice3A_977 : vector<8x8192xf32>
    %mul3A_980 = arith.constant 32 : i32
    %mul3A_981 = arith.muli %arg0, %mul3A_980 : i32
    %add3A_982 = arith.constant 22 : i32
    %add3A_983 = arith.addi %mul3A_981, %add3A_982 : i32
    %broadcast_in_dim3A_984 = vector.broadcast %add3A_983 : i32 to vector<8x8192xi32>
    %slice3A_985 = vector.extract_strided_slice %get3A_12 {offsets = [184, 0], sizes = [8, 1], strides = [1, 1]} : vector<256x1xf32> to vector<8x1xf32>
    %slice3A_986 = vector.extract_strided_slice %dot_general3A_6 {offsets = [184, 0], sizes = [8, 8192], strides = [1, 1]} : vector<256x8192xf32> to vector<8x8192xf32>
    %sub3A_987 = vector.broadcast %slice3A_985 : vector<8x1xf32> to vector<8x8192xf32>
    %sub3A_988 = arith.subf %sub3A_987, %slice3A_986 : vector<8x8192xf32>
    %mul3A_989 = arith.constant 32 : i32
    %mul3A_990 = arith.muli %arg0, %mul3A_989 : i32
    %add3A_991 = arith.constant 23 : i32
    %add3A_992 = arith.addi %mul3A_990, %add3A_991 : i32
    %broadcast_in_dim3A_993 = vector.broadcast %add3A_992 : i32 to vector<8x8192xi32>
    %slice3A_994 = vector.extract_strided_slice %get3A_12 {offsets = [192, 0], sizes = [8, 1], strides = [1, 1]} : vector<256x1xf32> to vector<8x1xf32>
    %slice3A_995 = vector.extract_strided_slice %dot_general3A_6 {offsets = [192, 0], sizes = [8, 8192], strides = [1, 1]} : vector<256x8192xf32> to vector<8x8192xf32>
    %sub3A_996 = vector.broadcast %slice3A_994 : vector<8x1xf32> to vector<8x8192xf32>
    %sub3A_997 = arith.subf %sub3A_996, %slice3A_995 : vector<8x8192xf32>
    %mul3A_998 = arith.constant 32 : i32
    %mul3A_999 = arith.muli %arg0, %mul3A_998 : i32
    %add3A_1000 = arith.constant 24 : i32
    %add3A_1001 = arith.addi %mul3A_999, %add3A_1000 : i32
    %broadcast_in_dim3A_1002 = vector.broadcast %add3A_1001 : i32 to vector<8x8192xi32>
    %slice3A_1003 = vector.extract_strided_slice %get3A_12 {offsets = [200, 0], sizes = [8, 1], strides = [1, 1]} : vector<256x1xf32> to vector<8x1xf32>
    %slice3A_1004 = vector.extract_strided_slice %dot_general3A_6 {offsets = [200, 0], sizes = [8, 8192], strides = [1, 1]} : vector<256x8192xf32> to vector<8x8192xf32>
    %sub3A_1005 = vector.broadcast %slice3A_1003 : vector<8x1xf32> to vector<8x8192xf32>
    %sub3A_1006 = arith.subf %sub3A_1005, %slice3A_1004 : vector<8x8192xf32>
    %mul3A_1007 = arith.constant 32 : i32
    %mul3A_1008 = arith.muli %arg0, %mul3A_1007 : i32
    %add3A_1009 = arith.constant 25 : i32
    %add3A_1010 = arith.addi %mul3A_1008, %add3A_1009 : i32
    %broadcast_in_dim3A_1011 = vector.broadcast %add3A_1010 : i32 to vector<8x8192xi32>
    %slice3A_1012 = vector.extract_strided_slice %get3A_12 {offsets = [208, 0], sizes = [8, 1], strides = [1, 1]} : vector<256x1xf32> to vector<8x1xf32>
    %slice3A_1013 = vector.extract_strided_slice %dot_general3A_6 {offsets = [208, 0], sizes = [8, 8192], strides = [1, 1]} : vector<256x8192xf32> to vector<8x8192xf32>
    %sub3A_1014 = vector.broadcast %slice3A_1012 : vector<8x1xf32> to vector<8x8192xf32>
    %sub3A_1015 = arith.subf %sub3A_1014, %slice3A_1013 : vector<8x8192xf32>
    %mul3A_1016 = arith.constant 32 : i32
    %mul3A_1017 = arith.muli %arg0, %mul3A_1016 : i32
    %add3A_1018 = arith.constant 26 : i32
    %add3A_1019 = arith.addi %mul3A_1017, %add3A_1018 : i32
    %broadcast_in_dim3A_1020 = vector.broadcast %add3A_1019 : i32 to vector<8x8192xi32>
    %slice3A_1021 = vector.extract_strided_slice %get3A_12 {offsets = [216, 0], sizes = [8, 1], strides = [1, 1]} : vector<256x1xf32> to vector<8x1xf32>
    %slice3A_1022 = vector.extract_strided_slice %dot_general3A_6 {offsets = [216, 0], sizes = [8, 8192], strides = [1, 1]} : vector<256x8192xf32> to vector<8x8192xf32>
    %sub3A_1023 = vector.broadcast %slice3A_1021 : vector<8x1xf32> to vector<8x8192xf32>
    %sub3A_1024 = arith.subf %sub3A_1023, %slice3A_1022 : vector<8x8192xf32>
    %mul3A_1025 = arith.constant 32 : i32
    %mul3A_1026 = arith.muli %arg0, %mul3A_1025 : i32
    %add3A_1027 = arith.constant 27 : i32
    %add3A_1028 = arith.addi %mul3A_1026, %add3A_1027 : i32
    %broadcast_in_dim3A_1029 = vector.broadcast %add3A_1028 : i32 to vector<8x8192xi32>
    %slice3A_1030 = vector.extract_strided_slice %get3A_12 {offsets = [224, 0], sizes = [8, 1], strides = [1, 1]} : vector<256x1xf32> to vector<8x1xf32>
    %slice3A_1031 = vector.extract_strided_slice %dot_general3A_6 {offsets = [224, 0], sizes = [8, 8192], strides = [1, 1]} : vector<256x8192xf32> to vector<8x8192xf32>
    %sub3A_1032 = vector.broadcast %slice3A_1030 : vector<8x1xf32> to vector<8x8192xf32>
    %sub3A_1033 = arith.subf %sub3A_1032, %slice3A_1031 : vector<8x8192xf32>
    %mul3A_1034 = arith.constant 32 : i32
    %mul3A_1035 = arith.muli %arg0, %mul3A_1034 : i32
    %add3A_1036 = arith.constant 28 : i32
    %add3A_1037 = arith.addi %mul3A_1035, %add3A_1036 : i32
    %broadcast_in_dim3A_1038 = vector.broadcast %add3A_1037 : i32 to vector<8x8192xi32>
    %slice3A_1039 = vector.extract_strided_slice %get3A_12 {offsets = [232, 0], sizes = [8, 1], strides = [1, 1]} : vector<256x1xf32> to vector<8x1xf32>
    %slice3A_1040 = vector.extract_strided_slice %dot_general3A_6 {offsets = [232, 0], sizes = [8, 8192], strides = [1, 1]} : vector<256x8192xf32> to vector<8x8192xf32>
    %sub3A_1041 = vector.broadcast %slice3A_1039 : vector<8x1xf32> to vector<8x8192xf32>
    %sub3A_1042 = arith.subf %sub3A_1041, %slice3A_1040 : vector<8x8192xf32>
    %mul3A_1043 = arith.constant 32 : i32
    %mul3A_1044 = arith.muli %arg0, %mul3A_1043 : i32
    %add3A_1045 = arith.constant 29 : i32
    %add3A_1046 = arith.addi %mul3A_1044, %add3A_1045 : i32
    %broadcast_in_dim3A_1047 = vector.broadcast %add3A_1046 : i32 to vector<8x8192xi32>
    %slice3A_1048 = vector.extract_strided_slice %get3A_12 {offsets = [240, 0], sizes = [8, 1], strides = [1, 1]} : vector<256x1xf32> to vector<8x1xf32>
    %slice3A_1049 = vector.extract_strided_slice %dot_general3A_6 {offsets = [240, 0], sizes = [8, 8192], strides = [1, 1]} : vector<256x8192xf32> to vector<8x8192xf32>
    %sub3A_1050 = vector.broadcast %slice3A_1048 : vector<8x1xf32> to vector<8x8192xf32>
    %sub3A_1051 = arith.subf %sub3A_1050, %slice3A_1049 : vector<8x8192xf32>
    %mul3A_1052 = arith.constant 32 : i32
    %mul3A_1053 = arith.muli %arg0, %mul3A_1052 : i32
    %add3A_1054 = arith.constant 30 : i32
    %add3A_1055 = arith.addi %mul3A_1053, %add3A_1054 : i32
    %broadcast_in_dim3A_1056 = vector.broadcast %add3A_1055 : i32 to vector<8x8192xi32>
    %slice3A_1057 = vector.extract_strided_slice %get3A_12 {offsets = [248, 0], sizes = [8, 1], strides = [1, 1]} : vector<256x1xf32> to vector<8x1xf32>
    %slice3A_1058 = vector.extract_strided_slice %dot_general3A_6 {offsets = [248, 0], sizes = [8, 8192], strides = [1, 1]} : vector<256x8192xf32> to vector<8x8192xf32>
    %sub3A_1059 = vector.broadcast %slice3A_1057 : vector<8x1xf32> to vector<8x8192xf32>
    %sub3A_1060 = arith.subf %sub3A_1059, %slice3A_1058 : vector<8x8192xf32>
    %mul3A_1061 = arith.constant 32 : i32
    %mul3A_1062 = arith.muli %arg0, %mul3A_1061 : i32
    %add3A_1063 = arith.constant 31 : i32
    %add3A_1064 = arith.addi %mul3A_1062, %add3A_1063 : i32
    %broadcast_in_dim3A_1065 = vector.broadcast %add3A_1064 : i32 to vector<8x8192xi32>
    %lt3A_1066 = arith.cmpf olt, %sub3A_790, %sub3A_781 : vector<8x8192xf32>
    %select_n3A_1067 = arith.select %lt3A_1066, %sub3A_790, %sub3A_781 : vector<8x8192xi1>, vector<8x8192xf32>
    %select_n3A_1068 = arith.select %lt3A_1066, %broadcast_in_dim3A_795, %broadcast_in_dim3A_786 : vector<8x8192xi1>, vector<8x8192xi32>
    %lt3A_1069 = arith.cmpf olt, %sub3A_808, %sub3A_799 : vector<8x8192xf32>
    %select_n3A_1070 = arith.select %lt3A_1069, %sub3A_808, %sub3A_799 : vector<8x8192xi1>, vector<8x8192xf32>
    %select_n3A_1071 = arith.select %lt3A_1069, %broadcast_in_dim3A_813, %broadcast_in_dim3A_804 : vector<8x8192xi1>, vector<8x8192xi32>
    %lt3A_1072 = arith.cmpf olt, %sub3A_826, %sub3A_817 : vector<8x8192xf32>
    %select_n3A_1073 = arith.select %lt3A_1072, %sub3A_826, %sub3A_817 : vector<8x8192xi1>, vector<8x8192xf32>
    %select_n3A_1074 = arith.select %lt3A_1072, %broadcast_in_dim3A_831, %broadcast_in_dim3A_822 : vector<8x8192xi1>, vector<8x8192xi32>
    %lt3A_1075 = arith.cmpf olt, %sub3A_844, %sub3A_835 : vector<8x8192xf32>
    %select_n3A_1076 = arith.select %lt3A_1075, %sub3A_844, %sub3A_835 : vector<8x8192xi1>, vector<8x8192xf32>
    %select_n3A_1077 = arith.select %lt3A_1075, %broadcast_in_dim3A_849, %broadcast_in_dim3A_840 : vector<8x8192xi1>, vector<8x8192xi32>
    %lt3A_1078 = arith.cmpf olt, %sub3A_862, %sub3A_853 : vector<8x8192xf32>
    %select_n3A_1079 = arith.select %lt3A_1078, %sub3A_862, %sub3A_853 : vector<8x8192xi1>, vector<8x8192xf32>
    %select_n3A_1080 = arith.select %lt3A_1078, %broadcast_in_dim3A_867, %broadcast_in_dim3A_858 : vector<8x8192xi1>, vector<8x8192xi32>
    %lt3A_1081 = arith.cmpf olt, %sub3A_880, %sub3A_871 : vector<8x8192xf32>
    %select_n3A_1082 = arith.select %lt3A_1081, %sub3A_880, %sub3A_871 : vector<8x8192xi1>, vector<8x8192xf32>
    %select_n3A_1083 = arith.select %lt3A_1081, %broadcast_in_dim3A_885, %broadcast_in_dim3A_876 : vector<8x8192xi1>, vector<8x8192xi32>
    %lt3A_1084 = arith.cmpf olt, %sub3A_898, %sub3A_889 : vector<8x8192xf32>
    %select_n3A_1085 = arith.select %lt3A_1084, %sub3A_898, %sub3A_889 : vector<8x8192xi1>, vector<8x8192xf32>
    %select_n3A_1086 = arith.select %lt3A_1084, %broadcast_in_dim3A_903, %broadcast_in_dim3A_894 : vector<8x8192xi1>, vector<8x8192xi32>
    %lt3A_1087 = arith.cmpf olt, %sub3A_916, %sub3A_907 : vector<8x8192xf32>
    %select_n3A_1088 = arith.select %lt3A_1087, %sub3A_916, %sub3A_907 : vector<8x8192xi1>, vector<8x8192xf32>
    %select_n3A_1089 = arith.select %lt3A_1087, %broadcast_in_dim3A_921, %broadcast_in_dim3A_912 : vector<8x8192xi1>, vector<8x8192xi32>
    %lt3A_1090 = arith.cmpf olt, %sub3A_934, %sub3A_925 : vector<8x8192xf32>
    %select_n3A_1091 = arith.select %lt3A_1090, %sub3A_934, %sub3A_925 : vector<8x8192xi1>, vector<8x8192xf32>
    %select_n3A_1092 = arith.select %lt3A_1090, %broadcast_in_dim3A_939, %broadcast_in_dim3A_930 : vector<8x8192xi1>, vector<8x8192xi32>
    %lt3A_1093 = arith.cmpf olt, %sub3A_952, %sub3A_943 : vector<8x8192xf32>
    %select_n3A_1094 = arith.select %lt3A_1093, %sub3A_952, %sub3A_943 : vector<8x8192xi1>, vector<8x8192xf32>
    %select_n3A_1095 = arith.select %lt3A_1093, %broadcast_in_dim3A_957, %broadcast_in_dim3A_948 : vector<8x8192xi1>, vector<8x8192xi32>
    %lt3A_1096 = arith.cmpf olt, %sub3A_970, %sub3A_961 : vector<8x8192xf32>
    %select_n3A_1097 = arith.select %lt3A_1096, %sub3A_970, %sub3A_961 : vector<8x8192xi1>, vector<8x8192xf32>
    %select_n3A_1098 = arith.select %lt3A_1096, %broadcast_in_dim3A_975, %broadcast_in_dim3A_966 : vector<8x8192xi1>, vector<8x8192xi32>
    %lt3A_1099 = arith.cmpf olt, %sub3A_988, %sub3A_979 : vector<8x8192xf32>
    %select_n3A_1100 = arith.select %lt3A_1099, %sub3A_988, %sub3A_979 : vector<8x8192xi1>, vector<8x8192xf32>
    %select_n3A_1101 = arith.select %lt3A_1099, %broadcast_in_dim3A_993, %broadcast_in_dim3A_984 : vector<8x8192xi1>, vector<8x8192xi32>
    %lt3A_1102 = arith.cmpf olt, %sub3A_1006, %sub3A_997 : vector<8x8192xf32>
    %select_n3A_1103 = arith.select %lt3A_1102, %sub3A_1006, %sub3A_997 : vector<8x8192xi1>, vector<8x8192xf32>
    %select_n3A_1104 = arith.select %lt3A_1102, %broadcast_in_dim3A_1011, %broadcast_in_dim3A_1002 : vector<8x8192xi1>, vector<8x8192xi32>
    %lt3A_1105 = arith.cmpf olt, %sub3A_1024, %sub3A_1015 : vector<8x8192xf32>
    %select_n3A_1106 = arith.select %lt3A_1105, %sub3A_1024, %sub3A_1015 : vector<8x8192xi1>, vector<8x8192xf32>
    %select_n3A_1107 = arith.select %lt3A_1105, %broadcast_in_dim3A_1029, %broadcast_in_dim3A_1020 : vector<8x8192xi1>, vector<8x8192xi32>
    %lt3A_1108 = arith.cmpf olt, %sub3A_1042, %sub3A_1033 : vector<8x8192xf32>
    %select_n3A_1109 = arith.select %lt3A_1108, %sub3A_1042, %sub3A_1033 : vector<8x8192xi1>, vector<8x8192xf32>
    %select_n3A_1110 = arith.select %lt3A_1108, %broadcast_in_dim3A_1047, %broadcast_in_dim3A_1038 : vector<8x8192xi1>, vector<8x8192xi32>
    %lt3A_1111 = arith.cmpf olt, %sub3A_1060, %sub3A_1051 : vector<8x8192xf32>
    %select_n3A_1112 = arith.select %lt3A_1111, %sub3A_1060, %sub3A_1051 : vector<8x8192xi1>, vector<8x8192xf32>
    %select_n3A_1113 = arith.select %lt3A_1111, %broadcast_in_dim3A_1065, %broadcast_in_dim3A_1056 : vector<8x8192xi1>, vector<8x8192xi32>
    %lt3A_1114 = arith.cmpf olt, %select_n3A_1070, %select_n3A_1067 : vector<8x8192xf32>
    %select_n3A_1115 = arith.select %lt3A_1114, %select_n3A_1070, %select_n3A_1067 : vector<8x8192xi1>, vector<8x8192xf32>
    %select_n3A_1116 = arith.select %lt3A_1114, %select_n3A_1071, %select_n3A_1068 : vector<8x8192xi1>, vector<8x8192xi32>
    %lt3A_1117 = arith.cmpf olt, %select_n3A_1076, %select_n3A_1073 : vector<8x8192xf32>
    %select_n3A_1118 = arith.select %lt3A_1117, %select_n3A_1076, %select_n3A_1073 : vector<8x8192xi1>, vector<8x8192xf32>
    %select_n3A_1119 = arith.select %lt3A_1117, %select_n3A_1077, %select_n3A_1074 : vector<8x8192xi1>, vector<8x8192xi32>
    %lt3A_1120 = arith.cmpf olt, %select_n3A_1082, %select_n3A_1079 : vector<8x8192xf32>
    %select_n3A_1121 = arith.select %lt3A_1120, %select_n3A_1082, %select_n3A_1079 : vector<8x8192xi1>, vector<8x8192xf32>
    %select_n3A_1122 = arith.select %lt3A_1120, %select_n3A_1083, %select_n3A_1080 : vector<8x8192xi1>, vector<8x8192xi32>
    %lt3A_1123 = arith.cmpf olt, %select_n3A_1088, %select_n3A_1085 : vector<8x8192xf32>
    %select_n3A_1124 = arith.select %lt3A_1123, %select_n3A_1088, %select_n3A_1085 : vector<8x8192xi1>, vector<8x8192xf32>
    %select_n3A_1125 = arith.select %lt3A_1123, %select_n3A_1089, %select_n3A_1086 : vector<8x8192xi1>, vector<8x8192xi32>
    %lt3A_1126 = arith.cmpf olt, %select_n3A_1094, %select_n3A_1091 : vector<8x8192xf32>
    %select_n3A_1127 = arith.select %lt3A_1126, %select_n3A_1094, %select_n3A_1091 : vector<8x8192xi1>, vector<8x8192xf32>
    %select_n3A_1128 = arith.select %lt3A_1126, %select_n3A_1095, %select_n3A_1092 : vector<8x8192xi1>, vector<8x8192xi32>
    %lt3A_1129 = arith.cmpf olt, %select_n3A_1100, %select_n3A_1097 : vector<8x8192xf32>
    %select_n3A_1130 = arith.select %lt3A_1129, %select_n3A_1100, %select_n3A_1097 : vector<8x8192xi1>, vector<8x8192xf32>
    %select_n3A_1131 = arith.select %lt3A_1129, %select_n3A_1101, %select_n3A_1098 : vector<8x8192xi1>, vector<8x8192xi32>
    %lt3A_1132 = arith.cmpf olt, %select_n3A_1106, %select_n3A_1103 : vector<8x8192xf32>
    %select_n3A_1133 = arith.select %lt3A_1132, %select_n3A_1106, %select_n3A_1103 : vector<8x8192xi1>, vector<8x8192xf32>
    %select_n3A_1134 = arith.select %lt3A_1132, %select_n3A_1107, %select_n3A_1104 : vector<8x8192xi1>, vector<8x8192xi32>
    %lt3A_1135 = arith.cmpf olt, %select_n3A_1112, %select_n3A_1109 : vector<8x8192xf32>
    %select_n3A_1136 = arith.select %lt3A_1135, %select_n3A_1112, %select_n3A_1109 : vector<8x8192xi1>, vector<8x8192xf32>
    %select_n3A_1137 = arith.select %lt3A_1135, %select_n3A_1113, %select_n3A_1110 : vector<8x8192xi1>, vector<8x8192xi32>
    %lt3A_1138 = arith.cmpf olt, %select_n3A_1118, %select_n3A_1115 : vector<8x8192xf32>
    %select_n3A_1139 = arith.select %lt3A_1138, %select_n3A_1118, %select_n3A_1115 : vector<8x8192xi1>, vector<8x8192xf32>
    %select_n3A_1140 = arith.select %lt3A_1138, %select_n3A_1119, %select_n3A_1116 : vector<8x8192xi1>, vector<8x8192xi32>
    %lt3A_1141 = arith.cmpf olt, %select_n3A_1124, %select_n3A_1121 : vector<8x8192xf32>
    %select_n3A_1142 = arith.select %lt3A_1141, %select_n3A_1124, %select_n3A_1121 : vector<8x8192xi1>, vector<8x8192xf32>
    %select_n3A_1143 = arith.select %lt3A_1141, %select_n3A_1125, %select_n3A_1122 : vector<8x8192xi1>, vector<8x8192xi32>
    %lt3A_1144 = arith.cmpf olt, %select_n3A_1130, %select_n3A_1127 : vector<8x8192xf32>
    %select_n3A_1145 = arith.select %lt3A_1144, %select_n3A_1130, %select_n3A_1127 : vector<8x8192xi1>, vector<8x8192xf32>
    %select_n3A_1146 = arith.select %lt3A_1144, %select_n3A_1131, %select_n3A_1128 : vector<8x8192xi1>, vector<8x8192xi32>
    %lt3A_1147 = arith.cmpf olt, %select_n3A_1136, %select_n3A_1133 : vector<8x8192xf32>
    %select_n3A_1148 = arith.select %lt3A_1147, %select_n3A_1136, %select_n3A_1133 : vector<8x8192xi1>, vector<8x8192xf32>
    %select_n3A_1149 = arith.select %lt3A_1147, %select_n3A_1137, %select_n3A_1134 : vector<8x8192xi1>, vector<8x8192xi32>
    %lt3A_1150 = arith.cmpf olt, %select_n3A_1142, %select_n3A_1139 : vector<8x8192xf32>
    %select_n3A_1151 = arith.select %lt3A_1150, %select_n3A_1142, %select_n3A_1139 : vector<8x8192xi1>, vector<8x8192xf32>
    %select_n3A_1152 = arith.select %lt3A_1150, %select_n3A_1143, %select_n3A_1140 : vector<8x8192xi1>, vector<8x8192xi32>
    %lt3A_1153 = arith.cmpf olt, %select_n3A_1148, %select_n3A_1145 : vector<8x8192xf32>
    %select_n3A_1154 = arith.select %lt3A_1153, %select_n3A_1148, %select_n3A_1145 : vector<8x8192xi1>, vector<8x8192xf32>
    %select_n3A_1155 = arith.select %lt3A_1153, %select_n3A_1149, %select_n3A_1146 : vector<8x8192xi1>, vector<8x8192xi32>
    %lt3A_1156 = arith.cmpf olt, %select_n3A_1154, %select_n3A_1151 : vector<8x8192xf32>
    %select_n3A_1157 = arith.select %lt3A_1156, %select_n3A_1154, %select_n3A_1151 : vector<8x8192xi1>, vector<8x8192xf32>
    %select_n3A_1158 = arith.select %lt3A_1156, %select_n3A_1155, %select_n3A_1152 : vector<8x8192xi1>, vector<8x8192xi32>
    %eq3A_1159 = arith.constant 0 : i32
    %eq3A_1160 = arith.cmpi eq, %arg0, %eq3A_1159 : i32
    %convert_element_type3A_1161 = arith.extui %eq3A_1160 : i1 to i32
    %cond3A_1162 = arith.constant 0 : i32
    %cond3A_1163 = arith.cmpi ne, %convert_element_type3A_1161, %cond3A_1162 : i32
    scf.if %cond3A_1163 {
      %mul3A_1174 = arith.constant 8192 : i32
      %mul3A_1175 = arith.muli %arg1, %mul3A_1174 : i32
      %swap3A = arith.constant 0 : index
      %swap3A_1176 = arith.index_cast %mul3A_1175 : i32 to index
      %swap3A_1177 = vector.load %arg9[%swap3A, %swap3A_1176] : memref<8x8192xf32, #tpu.memory_space<vmem>>, vector<8x8192xf32>
      tpu.vector_store %arg9[%swap3A, %swap3A_1176], %select_n3A_1157 {strides = array<i32>} : memref<8x8192xf32, #tpu.memory_space<vmem>>, vector<8x8192xf32>,
      %mul3A_1178 = arith.constant 8192 : i32
      %mul3A_1179 = arith.muli %arg1, %mul3A_1178 : i32
      %swap3A_1180 = arith.constant 0 : index
      %swap3A_1181 = arith.index_cast %mul3A_1179 : i32 to index
      %swap3A_1182 = vector.load %arg10[%swap3A_1180, %swap3A_1181] : memref<8x8192xi32, #tpu.memory_space<vmem>>, vector<8x8192xi32>
      tpu.vector_store %arg10[%swap3A_1180, %swap3A_1181], %select_n3A_1158 {strides = array<i32>} : memref<8x8192xi32, #tpu.memory_space<vmem>>, vector<8x8192xi32>,
    } else {
    }
    %gt3A_1164 = arith.constant 0 : i32
    %gt3A_1165 = arith.cmpi sgt, %arg0, %gt3A_1164 : i32
    %convert_element_type3A_1166 = arith.extui %gt3A_1165 : i1 to i32
    %cond3A_1167 = arith.constant 0 : i32
    %cond3A_1168 = arith.cmpi ne, %convert_element_type3A_1166, %cond3A_1167 : i32
    scf.if %cond3A_1168 {
      %mul3A_1174 = arith.constant 8192 : i32
      %mul3A_1175 = arith.muli %arg1, %mul3A_1174 : i32
      %get3A_1176 = arith.constant 0 : index
      %get3A_1177 = arith.index_cast %mul3A_1175 : i32 to index
      %get3A_1178 = vector.load %arg9[%get3A_1176, %get3A_1177] : memref<8x8192xf32, #tpu.memory_space<vmem>>, vector<8x8192xf32>
      %mul3A_1179 = arith.constant 8192 : i32
      %mul3A_1180 = arith.muli %arg1, %mul3A_1179 : i32
      %get3A_1181 = arith.constant 0 : index
      %get3A_1182 = arith.index_cast %mul3A_1180 : i32 to index
      %get3A_1183 = vector.load %arg10[%get3A_1181, %get3A_1182] : memref<8x8192xi32, #tpu.memory_space<vmem>>, vector<8x8192xi32>
      %lt3A_1184 = arith.cmpf olt, %select_n3A_1157, %get3A_1178 : vector<8x8192xf32>
      %select_n3A_1185 = arith.select %lt3A_1184, %select_n3A_1157, %get3A_1178 : vector<8x8192xi1>, vector<8x8192xf32>
      %select_n3A_1186 = arith.select %lt3A_1184, %select_n3A_1158, %get3A_1183 : vector<8x8192xi1>, vector<8x8192xi32>
      %mul3A_1187 = arith.constant 8192 : i32
      %mul3A_1188 = arith.muli %arg1, %mul3A_1187 : i32
      %swap3A = arith.constant 0 : index
      %swap3A_1189 = arith.index_cast %mul3A_1188 : i32 to index
      %swap3A_1190 = vector.load %arg9[%swap3A, %swap3A_1189] : memref<8x8192xf32, #tpu.memory_space<vmem>>, vector<8x8192xf32>
      tpu.vector_store %arg9[%swap3A, %swap3A_1189], %select_n3A_1185 {strides = array<i32>} : memref<8x8192xf32, #tpu.memory_space<vmem>>, vector<8x8192xf32>,
      %mul3A_1191 = arith.constant 8192 : i32
      %mul3A_1192 = arith.muli %arg1, %mul3A_1191 : i32
      %swap3A_1193 = arith.constant 0 : index
      %swap3A_1194 = arith.index_cast %mul3A_1192 : i32 to index
      %swap3A_1195 = vector.load %arg10[%swap3A_1193, %swap3A_1194] : memref<8x8192xi32, #tpu.memory_space<vmem>>, vector<8x8192xi32>
      tpu.vector_store %arg10[%swap3A_1193, %swap3A_1194], %select_n3A_1186 {strides = array<i32>} : memref<8x8192xi32, #tpu.memory_space<vmem>>, vector<8x8192xi32>,
    } else {
    }
    %eq3A_1169 = arith.constant 31 : i32
    %eq3A_1170 = arith.cmpi eq, %arg0, %eq3A_1169 : i32
    %convert_element_type3A_1171 = arith.extui %eq3A_1170 : i1 to i32
    %cond3A_1172 = arith.constant 0 : i32
    %cond3A_1173 = arith.cmpi ne, %convert_element_type3A_1171, %cond3A_1172 : i32
    scf.if %cond3A_1173 {
      %mul3A_1174 = arith.constant 8192 : i32
      %mul3A_1175 = arith.muli %arg1, %mul3A_1174 : i32
      %get3A_1176 = arith.constant 0 : index
      %get3A_1177 = arith.index_cast %mul3A_1175 : i32 to index
      %get3A_1178 = vector.load %arg9[%get3A_1176, %get3A_1177] : memref<8x8192xf32, #tpu.memory_space<vmem>>, vector<8x8192xf32>
      %mul3A_1179 = arith.constant 8192 : i32
      %mul3A_1180 = arith.muli %arg1, %mul3A_1179 : i32
      %get3A_1181 = arith.constant 0 : index
      %get3A_1182 = arith.index_cast %mul3A_1180 : i32 to index
      %get3A_1183 = vector.load %arg10[%get3A_1181, %get3A_1182] : memref<8x8192xi32, #tpu.memory_space<vmem>>, vector<8x8192xi32>
      %mul3A_1184 = arith.constant 8 : i32
      %mul3A_1185 = vector.broadcast %mul3A_1184 : i32 to vector<8x8192xi32>
      %mul3A_1186 = arith.muli %get3A_1183, %mul3A_1185 : vector<8x8192xi32>
      %iota3A = tpu.iota {dimensions = array<i32: 0>} : vector<8x8192xi32>
      %add3A_1187 = arith.addi %mul3A_1186, %iota3A : vector<8x8192xi32>
      %reduce_min3A = arith.constant dense<0x7F800000> : vector<8192xf32>
      %reduce_min3A_1188 = vector.multi_reduction <minimumf>, %get3A_1178, %reduce_min3A [0] : vector<8x8192xf32> to vector<8192xf32>
      %broadcast_in_dim3A_1189 = vector.shape_cast %reduce_min3A_1188 : vector<8192xf32> to vector<1x8192xf32>
      %eq3A_1190 = vector.broadcast %broadcast_in_dim3A_1189 : vector<1x8192xf32> to vector<8x8192xf32>
      %eq3A_1191 = arith.cmpf oeq, %get3A_1178, %eq3A_1190 : vector<8x8192xf32>
      %jit3A = arith.constant 1073741824 : i32
      %broadcast_in_dim3A_1192 = vector.broadcast %jit3A : i32 to vector<8x8192xi32>
      %select_n3A_1193 = arith.select %eq3A_1191, %add3A_1187, %broadcast_in_dim3A_1192 : vector<8x8192xi1>, vector<8x8192xi32>
      %reduce_min3A_1194 = arith.constant dense<2147483647> : vector<8192xi32>
      %reduce_min3A_1195 = vector.multi_reduction <minsi>, %select_n3A_1193, %reduce_min3A_1194 [0] : vector<8x8192xi32> to vector<8192xi32>
      %reshape3A = vector.shape_cast %reduce_min3A_1195 : vector<8192xi32> to vector<1x8192xi32>
      %swap3A = arith.constant 0 : index
      %swap3A_1196 = arith.constant 0 : index
      %swap3A_1197 = vector.load %arg8[%swap3A, %swap3A_1196] : memref<1x8192xi32, #tpu.memory_space<vmem>>, vector<1x8192xi32>
      tpu.vector_store %arg8[%swap3A, %swap3A_1196], %reshape3A {strides = array<i32>} : memref<1x8192xi32, #tpu.memory_space<vmem>>, vector<1x8192xi32>,
    } else {
    }
    return
  }
  func.func @transform_0(%arg0: i32, %arg1: i32) -> (i32, i32) {
    %c0_i32 = arith.constant 0 : i32
    %c0_i32_0 = arith.constant 0 : i32
    return %arg0, %c0_i32 : i32, i32
  }
  func.func @transform_1(%arg0: i32, %arg1: i32) -> (i32, i32) {
    %c0_i32 = arith.constant 0 : i32
    %c0_i32_0 = arith.constant 0 : i32
    return %c0_i32, %arg1 : i32, i32
  }
  func.func @transform_2(%arg0: i32, %arg1: i32) -> (i32, i32) {
    %c0_i32 = arith.constant 0 : i32
    %c0_i32_0 = arith.constant 0 : i32
    return %c0_i32, %arg1 : i32, i32
  }
  func.func @transform_3(%arg0: i32, %arg1: i32) -> (i32, i32) {
    %c0_i32 = arith.constant 0 : i32
    %c0_i32_0 = arith.constant 0 : i32
    return %arg0, %c0_i32 : i32, i32
  }
  func.func @transform_4(%arg0: i32, %arg1: i32) -> (i32, i32) {
    %c0_i32 = arith.constant 0 : i32
    %c0_i32_0 = arith.constant 0 : i32
    return %arg0, %c0_i32 : i32, i32
  }
  func.func @transform_5(%arg0: i32, %arg1: i32) -> (i32, i32) {
    %c0_i32 = arith.constant 0 : i32
    %c0_i32_0 = arith.constant 0 : i32
    return %arg0, %c0_i32 : i32, i32
  }
  func.func @transform_6(%arg0: i32, %arg1: i32) -> (i32, i32) {
    %c0_i32 = arith.constant 0 : i32
    %c0_i32_0 = arith.constant 0 : i32
    return %c0_i32, %arg1 : i32, i32
  }
}

module attributes {stable_mosaic.version = 14 : i64} {
  func.func @_rowfin_body(%arg0: i32, %arg1: memref<256x128xf32, #tpu.memory_space<vmem>>, %arg2: memref<256x128xi32, #tpu.memory_space<vmem>>, %arg3: memref<1x256xi32, #tpu.memory_space<vmem>>) attributes {dimension_semantics = [#tpu.dimension_semantics<arbitrary>], iteration_bounds = array<i64: 32>, scalar_prefetch = 0 : i64, scratch_operands = 0 : i64, tpu.core_type = #tpu.core_type<tc>, window_params = [{transform_indices = @transform_0, window_bounds = array<i64: 256, 128>}, {transform_indices = @transform_1, window_bounds = array<i64: 256, 128>}, {transform_indices = @transform_2, window_bounds = array<i64: 1, 256>}]} {
    %get3A = arith.constant 0 : index
    %get3A_0 = arith.constant 0 : index
    %get3A_1 = vector.load %arg1[%get3A, %get3A_0] : memref<256x128xf32, #tpu.memory_space<vmem>>, vector<256x128xf32>
    %get3A_2 = arith.constant 0 : index
    %get3A_3 = arith.constant 0 : index
    %get3A_4 = vector.load %arg2[%get3A_2, %get3A_3] : memref<256x128xi32, #tpu.memory_space<vmem>>, vector<256x128xi32>
    %mul3A = arith.constant 128 : i32
    %mul3A_5 = vector.broadcast %mul3A : i32 to vector<256x128xi32>
    %mul3A_6 = arith.muli %get3A_4, %mul3A_5 : vector<256x128xi32>
    %iota3A = tpu.iota {dimensions = array<i32: 1>} : vector<256x128xi32>
    %add3A = arith.addi %mul3A_6, %iota3A : vector<256x128xi32>
    %reduce_min3A = arith.constant dense<0x7F800000> : vector<256xf32>
    %reduce_min3A_7 = vector.multi_reduction <minimumf>, %get3A_1, %reduce_min3A [1] : vector<256x128xf32> to vector<256xf32>
    %broadcast_in_dim3A = vector.shape_cast %reduce_min3A_7 : vector<256xf32> to vector<256x1xf32>
    %eq3A = vector.broadcast %broadcast_in_dim3A : vector<256x1xf32> to vector<256x128xf32>
    %eq3A_8 = arith.cmpf oeq, %get3A_1, %eq3A : vector<256x128xf32>
    %jit3A = arith.constant 1073741824 : i32
    %broadcast_in_dim3A_9 = vector.broadcast %jit3A : i32 to vector<256x128xi32>
    %select_n3A = arith.select %eq3A_8, %add3A, %broadcast_in_dim3A_9 : vector<256x128xi1>, vector<256x128xi32>
    %reduce_min3A_10 = arith.constant dense<2147483647> : vector<256xi32>
    %reduce_min3A_11 = vector.multi_reduction <minsi>, %select_n3A, %reduce_min3A_10 [1] : vector<256x128xi32> to vector<256xi32>
    %reshape3A = vector.shape_cast %reduce_min3A_11 : vector<256xi32> to vector<1x256xi32>
    %swap3A = arith.constant 0 : index
    %swap3A_12 = arith.constant 0 : index
    %swap3A_13 = vector.load %arg3[%swap3A, %swap3A_12] : memref<1x256xi32, #tpu.memory_space<vmem>>, vector<1x256xi32>
    tpu.vector_store %arg3[%swap3A, %swap3A_12], %reshape3A {strides = array<i32>} : memref<1x256xi32, #tpu.memory_space<vmem>>, vector<1x256xi32>,
    return
  }
  func.func @transform_0(%arg0: i32) -> (i32, i32) {
    %c0_i32 = arith.constant 0 : i32
    %c0_i32_0 = arith.constant 0 : i32
    return %arg0, %c0_i32 : i32, i32
  }
  func.func @transform_1(%arg0: i32) -> (i32, i32) {
    %c0_i32 = arith.constant 0 : i32
    %c0_i32_0 = arith.constant 0 : i32
    return %arg0, %c0_i32 : i32, i32
  }
  func.func @transform_2(%arg0: i32) -> (i32, i32) {
    %c0_i32 = arith.constant 0 : i32
    %c0_i32_0 = arith.constant 0 : i32
    return %c0_i32, %arg0 : i32, i32
  }
}

module attributes {stable_mosaic.version = 14 : i64} {
  func.func @_finish_body(%arg0: memref<32x16xf32, #tpu.memory_space<vmem>>, %arg1: memref<32x16xf32, #tpu.memory_space<vmem>>, %arg2: memref<1x1xf32, #tpu.memory_space<smem>>) attributes {dimension_semantics = [], scalar_prefetch = 0 : i64, scratch_operands = 0 : i64, tpu.core_type = #tpu.core_type<tc>} {
    %get3A = arith.constant 0 : index
    %get3A_0 = arith.constant 0 : index
    %get3A_1 = vector.load %arg0[%get3A, %get3A_0] : memref<32x16xf32, #tpu.memory_space<vmem>>, vector<32x16xf32>
    %reduce_sum3A = vector.shape_cast %get3A_1 : vector<32x16xf32> to vector<1x32x16xf32>
    %reduce_sum3A_2 = arith.constant dense<0.000000e+00> : vector<1xf32>
    %reduce_sum3A_3 = vector.multi_reduction <add>, %reduce_sum3A, %reduce_sum3A_2 [1, 2] : vector<1x32x16xf32> to vector<1xf32>
    %reduce_sum3A_4 = vector.shape_cast %reduce_sum3A_3 : vector<1xf32> to vector<1x1x1xf32>
    %reduce_sum3A_5 = vector.extract %reduce_sum3A_4[0, 0, 0] : f32 from vector<1x1x1xf32>
    %div3A = arith.constant 8.192000e+03 : f32
    %div3A_6 = arith.divf %reduce_sum3A_5, %div3A : f32
    %get3A_7 = arith.constant 0 : index
    %get3A_8 = arith.constant 0 : index
    %get3A_9 = vector.load %arg1[%get3A_7, %get3A_8] : memref<32x16xf32, #tpu.memory_space<vmem>>, vector<32x16xf32>
    %reduce_sum3A_10 = vector.shape_cast %get3A_9 : vector<32x16xf32> to vector<1x32x16xf32>
    %reduce_sum3A_11 = arith.constant dense<0.000000e+00> : vector<1xf32>
    %reduce_sum3A_12 = vector.multi_reduction <add>, %reduce_sum3A_10, %reduce_sum3A_11 [1, 2] : vector<1x32x16xf32> to vector<1xf32>
    %reduce_sum3A_13 = vector.shape_cast %reduce_sum3A_12 : vector<1xf32> to vector<1x1x1xf32>
    %reduce_sum3A_14 = vector.extract %reduce_sum3A_13[0, 0, 0] : f32 from vector<1x1x1xf32>
    %div3A_15 = arith.constant 8.192000e+03 : f32
    %div3A_16 = arith.divf %reduce_sum3A_14, %div3A_15 : f32
    %add3A = arith.addf %div3A_6, %div3A_16 : f32
    %mul3A = arith.constant 5.000000e-01 : f32
    %mul3A_17 = arith.mulf %mul3A, %add3A : f32
    %swap3A = arith.constant 0 : index
    %swap3A_18 = arith.constant 0 : index
    %swap3A_19 = memref.load %arg2[%swap3A, %swap3A_18] : memref<1x1xf32, #tpu.memory_space<smem>>
    memref.store %mul3A_17, %arg2[%swap3A, %swap3A_18] : memref<1x1xf32, #tpu.memory_space<smem>>
    return
  }
}

</mosaic_0001>

<sc_bundles>
// kernel: kernel.6.cloned.1.call-start
scs
__scs_entry_jumppad:
0x0: {  	(pc) =	sbr.rel $0x88, $3  }
0x1: {  	(tag) =	ssettag $0x0;
	lr =	simm.s32 $0x1  }
0x2: {  	[smem:$0x3F9F] =	sst lr;
	_ =	strace $0xD0000000  }
0x3: {  	_ = 	snop  }
0x4: {  	_ = 	snop  }
0x5: {  	_ = 	snop  }
0x6: {  	_ = 	snop  }
0x7: {  	_ = 	snop  }
__scs_overlays_trampoline_lowered:
0x8: {  	[smem:$0x3FAE] =	sst s0  }
0x9: {  	[smem:$0x3FAF] =	sst s1  }
0xa: {  	[smem:$0x3FB0] =	sst s2  }
0xb: {  	[smem:$0x3FB1] =	sst s3  }
0xc: {  	[smem:$0x3FB2] =	sst s4  }
0xd: {  	[smem:$0x3FB3] =	sst s5  }
0xe: {  	[smem:$0x3FB4] =	sst s6  }
0xf: {  	[smem:$0x3FB5] =	sst s7  }
0x10: {  	[smem:$0x3FB6] =	sst s8  }
0x11: {  	[smem:$0x3FB7] =	sst s9;
	s0 =	simm.s32 @!p0 $0x0  }
0x12: {  	s1 =	sld [smem:$0x3F9D];
	s0 =	simm.s32 @p0 $0x1  }
0x13: {  	[smem:$0x3FB8] =	sst s0;
	s0 =	simm.s32 @!p1 $0x0  }
0x14: {  	s2 =	sld [smem:$0x3F9C];
	s0 =	simm.s32 @p1 $0x1  }
0x15: {  	[smem:$0x3FB9] =	sst s0;
	s0 =	simm.s32 @!p2 $0x0  }
0x16: {  	s3 =	sld [smem:$0x3FDB];
	s0 =	simm.s32 @p2 $0x1  }
0x17: {  	s4 =	simm.s32 $0x1BF5;
	[smem:$0x3FBB] =	sst s0  }
0x18: {  	s0 =	sld [smem:$0x3F9E];
	_ =	swait.ge [sflag:s4], $0x0  }
0x19: {  	s7 =	sld [smem:$0x3F9F]  }
0x1a: {  	s8 =	sadd.s32 $0xFFFFE003, lr  }
0x1b: {  	s9 =	sadd.s32 $0xFFFFFEF7, lr;
	s5 =	simm.s32 $0xFFFFFFFF;
	p2 =	slt.u32 s8, $0xFFFFF086  }
0x1c: {  	p1 =	slt.u32 s9, $0xF7A;
	s5 =	simm.s32 @!p2 $0x0  }
0x1d: {  	s5 =	simm.s32 @p1 $0x1;
	p0 =	seq.s32 s7, s2  }
0x1e: {  	s7 =	smul.u32 @!p0 $0xF7A, s2;
	p2 =	seq.s32 @!p0 s5, $0x0  }
0x1f: {  	s9 =	smul.u32 $0xF7A, s1;
	s8 =	simm.s32 @!p0 $0x1BF5;
	p2 =	por !p2, p0  }
0x20: {  	[sflag:s8] =	ssyncset.s32 @!p0 $0xFFFFF086;
	s6 =	sadd.s32 @!p0 s3, s7;
	s7 =	simm.s32 @!p0 $0x108  }
0x21: {  	s3 =	sadd.s32 s3, s9;
	s6 =	sadd.s32 @!p0 $0x88, s6;
	s7 =	simm.s32 @p2 $0x1082  }
0x22: {  	[simem:s7], [sflag:s8] =	dma.local @!p0 [hbm:s6], $0xF7A  }
0x23: {  	s9 =	sor.u32 $0xD0000000, s2;
	s6 =	simm.s32 $0x108;
	_ =	swait.ge @!p0 [sflag:s8], $0x0  }
0x24: {  	s3 =	sadd.s32 $0x88, s3;
	s6 =	simm.s32 @!p1 $0x1082;
	[sflag:s4] =	ssyncset.s32 $0xFFFFF086  }
0x25: {  	[simem:s6], [sflag:s4] =	dma.local [hbm:s3], $0xF7A  }
0x26: {  	[smem:$0x3F9F] =	sst s1;
	(tag) =	ssettag s2;
	_ =	strace s9  }
0x27: {  	s1 =	sld [smem:$0x3FAF]  }
0x28: {  	s2 =	sld [smem:$0x3FB0]  }
0x29: {  	s4 =	sld [smem:$0x3FB2]  }
0x2a: {  	p0 =	seq.s32 s5, $0x0;
	s5 =	sld [smem:$0x3FB3]  }
0x2b: {  	s6 =	sld [smem:$0x3FB4]  }
0x2c: {  	s7 =	sld [smem:$0x3FB5]  }
0x2d: {  	s3 =	simm.s32 $0x108;
	s8 =	sld [smem:$0x3FB6]  }
0x2e: {  	s3 =	simm.s32 @!p0 $0x1082;
	s9 =	sld [smem:$0x3FB7]  }
0x2f: {  	lr =	sadd.s32 s0, s3;
	s0 =	sld [smem:$0x3FAE]  }
0x30: {  	s3 =	sld [smem:$0x3FB1]  }
0x31: {  	[smem:$0x3FBA] =	sst s10  }
0x32: {  	s10 =	sld [smem:$0x3FB8];
	_ =	sdelay $0x3  }
0x33: {  	p0 =	seq.s32 s10, $0x1;
	s10 =	sld [smem:$0x3FBA];
	_ =	sdelay $0x3  }
0x34: {  	[smem:$0x3FBA] =	sst s10  }
0x35: {  	s10 =	sld [smem:$0x3FB9];
	_ =	sdelay $0x3  }
0x36: {  	p1 =	seq.s32 s10, $0x1;
	s10 =	sld [smem:$0x3FBA];
	_ =	sdelay $0x3  }
0x37: {  	[smem:$0x3FBA] =	sst s10  }
0x38: {  	s10 =	sld [smem:$0x3FBB]  }
0x39: {  	_ = 	snop;
	(pc) =	sbr.ind lr, $3  }
0x3a: {  	_ = 	snop  }
0x3b: {  	_ = 	snop  }
0x3c: {  	p2 =	seq.s32 s10, $0x1;
	s10 =	sld [smem:$0x3FBA]  }
0x3d: {  	_ =	shalt  }
0x3e: {  	_ =	shalt  }
0x3f: {  	_ =	shalt  }
0x40: {  	_ =	shalt  }
0x41: {  	_ =	shalt  }
0x42: {  	_ =	shalt  }
0x43: {  	_ =	shalt  }
0x44: {  	_ =	shalt  }
0x45: {  	_ =	shalt  }
0x46: {  	_ =	shalt  }
0x47: {  	_ =	shalt  }
0x48: {  	_ =	shalt  }
0x49: {  	_ =	shalt  }
0x4a: {  	_ =	shalt  }
0x4b: {  	_ =	shalt  }
0x4c: {  	_ =	shalt  }
0x4d: {  	_ =	shalt  }
0x4e: {  	_ =	shalt  }
0x4f: {  	_ =	shalt  }
0x50: {  	_ =	shalt  }
0x51: {  	_ =	shalt  }
0x52: {  	_ =	shalt  }
0x53: {  	_ =	shalt  }
0x54: {  	_ =	shalt  }
0x55: {  	_ =	shalt  }
0x56: {  	_ =	shalt  }
0x57: {  	_ =	shalt  }
0x58: {  	_ =	shalt  }
0x59: {  	_ =	shalt  }
0x5a: {  	_ =	shalt  }
0x5b: {  	_ =	shalt  }
0x5c: {  	_ =	shalt  }
0x5d: {  	_ =	shalt  }
0x5e: {  	_ =	shalt  }
0x5f: {  	_ =	shalt  }
0x60: {  	_ =	shalt  }
0x61: {  	_ =	shalt  }
0x62: {  	_ =	shalt  }
0x63: {  	_ =	shalt  }
0x64: {  	_ =	shalt  }
0x65: {  	_ =	shalt  }
0x66: {  	_ =	shalt  }
0x67: {  	_ =	shalt  }
0x68: {  	_ =	shalt  }
0x69: {  	_ =	shalt  }
0x6a: {  	_ =	shalt  }
0x6b: {  	_ =	shalt  }
0x6c: {  	_ =	shalt  }
0x6d: {  	_ =	shalt  }
0x6e: {  	_ =	shalt  }
0x6f: {  	_ =	shalt  }
0x70: {  	_ =	shalt  }
0x71: {  	_ =	shalt  }
0x72: {  	_ =	shalt  }
0x73: {  	_ =	shalt  }
0x74: {  	_ =	shalt  }
0x75: {  	_ =	shalt  }
0x76: {  	_ =	shalt  }
0x77: {  	_ =	shalt  }
0x78: {  	_ =	shalt  }
0x79: {  	_ =	shalt  }
0x7a: {  	_ =	shalt  }
0x7b: {  	_ =	shalt  }
0x7c: {  	_ =	shalt  }
0x7d: {  	_ =	shalt  }
0x7e: {  	_ =	shalt  }
0x7f: {  	_ =	shalt  }
0x80: {  	_ =	shalt  }
0x81: {  	_ =	shalt  }
0x82: {  	_ =	shalt  }
0x83: {  	_ =	shalt  }
0x84: {  	_ =	shalt  }
0x85: {  	_ =	shalt  }
0x86: {  	_ =	shalt  }
0x87: {  	_ =	shalt  }
.Lfunc_end0:
.L_simem_size_0:
called_computation_lowered:
.L_overlay_start_0:
0x88: {  	s2 =	sld [smem:$0x3FD9]  }
0x89: {  	s3 =	sld [smem:$0x3FFE];
	_ =	sdelay $0x1  }
0x8a: {  	s1 =	srdreg.scid  }
0x8b: {  	s0 =	sand.u32 $0x1, s1  }
0x8c: {  	s16 =	sshll.u32 s0, $0xA;
	s2 =	sadd.s32 s3, s2  }
0x8d: {  	s2 =	sadd.s32 s2, s16  }
0x8e: {  	[smem:$0x3FC6] =	sst s2  }
0x8f: {  	_ = 	snop  }
0x90: {  	(tm) =	ssettm $0x1  }
0x91: {  	s17 =	sld [smem:$0x3FFB];
	_ =	sdelay $0x3  }
0x92: {  	_ =	strace s17  }
0x93: {  	s2 =	sld [smem:$0x3FFC];
	_ =	sdelay $0x3  }
0x94: {  	_ =	strace s2  }
0x95: {  	s2 =	sld [smem:$0x3FFD];
	_ =	sdelay $0x3  }
0x96: {  	_ =	strace s2  }
0x97: {  	_ =	strace $0x8FFFFFFF  }
0x98: {  	s18 =	sld [smem:$0x3FDB];
	_ =	sdelay $0x1  }
0x99: {  	s19 =	simm.s32 $_scs_section_size  }
0x9a: {  	s4 =	simm.s32 $_size__tile_overlayer_lowered;
	s5 =	simm.s32 $_tile_overlayer_lowered  }
0x9b: {  	s22 =	simm.s32 $0x1BFF;
	s21 =	sshll.u32 s5, $0x1;
	s2 =	sadd.s32 s19, s18  }
0x9c: {  	s6 =	simm.s32 $0x0;
	s20 =	sshll.u32 s4, $0x1;
	s4 =	sadd.s32 s21, s2  }
0x9d: {  	[timem:s6], [sflag:s22] =	dma.local [hbm:s4], s20  }
0x9e: {  	_ =	swait.ge [sflag:s22], s20  }
0x9f: {  	s3 =	ssub.s32 $0x0, s20;
	[sflag:s22] =	ssyncset.done $0x0  }
0xa0: {  	[sflag:s22] =	ssyncadd.s32 s3;
	_ =	sdelay $0x1  }
0xa1: {  	s23 =	simm.s32 $0x1B8B  }
0xa2: {  	_ =	swait.ge [sflag:s23], $0x1  }
0xa3: {  	[sflag:s23] =	ssyncset.done $0x0  }
0xa4: {  	s25 =	simm.s32 $0x1B8E;
	s24 =	sld [smem:$0x3FFE];
	[sflag:s23] =	ssyncadd.s32 $0xFFFFFFFF  }
0xa5: {  	s26 =	simm.s32 $execute0_lowered;
	[smem:$0x3FD2] =	sst s25  }
0xa6: {  	s4 =	sshll.u32 s26, $0x1;
	_ =	strace $0x80000046;
	[dreg:$0x1] =	wrdreg $0xFFFFFFFF  }
0xa7: {  	s28 =	simm.s32 $_size_execute0_lowered;
	s2 =	sadd.s32 s2, s4;
	[dreg:$0x0] =	wrdreg $0x0  }
0xa8: {  	s4 =	sshll.u32 s28, $0x1;
	[dreg:$0x2] =	wrdreg s2  }
0xa9: {  	[dreg:$0x3] =	wrdreg s4  }
0xaa: {  	[dreg:$0x4] =	wrdreg $0xC0  }
0xab: {  	_ =	task [dreg:s6], $0x5FFFF  }
0xac: {  	[dreg:$0x1] =	wrdreg $0xFFFFFFFF  }
0xad: {  	[dreg:$0x0] =	wrdreg $0x60  }
0xae: {  	[dreg:$0x2] =	wrdreg s24  }
0xaf: {  	[dreg:$0x3] =	wrdreg $0x9  }
0xb0: {  	_ =	task.clear_ibuf [dreg:s6], $0x4FFFF;
	_ =	strace $0x90000046  }
0xb1: {  	s29 =	simm.s32 $0x9;
	_ =	strace $0x80000048  }
0xb2: {  	_ =	swait.ge [sflag:s29], $0x1  }
0xb3: {  	[sflag:s29] =	ssyncadd.s32 $0xFFFFFFFF  }
0xb4: {  	_ =	strace $0x90000048  }
0xb5: {  	_ =	sfence  }
0xb6: {  	s30 =	sld [smem:$0x0];
	_ =	sdelay $0x2  }
0xb7: {  	s31 =	sshll.u32 s1, $0xD;
	s1 =	sshrl.u32 s1, $0x2  }
0xb8: {  	s3 =	sand.u32 $0x4000, s31;
	s1 =	sadd.s32 s1, s30  }
0xb9: {  	s0 =	sor.u32 s3, s0;
	s1 =	sshll.u32 s1, $0x11  }
0xba: {  	s0 =	sor.u32 s1, s0  }
0xbb: {  	s0 =	sadd.s32 $0x8F2B, s0  }
0xbc: {  	[sflag:s0] =	ssyncadd.remote.s32 $0x1  }
0xbd: {  	_ =	sfence.sel $0xFFFF  }
0xbe: {  	[dreg:$0x0] =	wrdreg $0xFFFFFFFF;
	(pc) =	sbr.abs _section_cstart, $3  }
0xbf: {  	[dreg:$0x1] =	wrdreg $0xFFFFFFFF  }
0xc0: {  	_ =	task.clear_ibuf [dreg:s6], $0x2FFFF;
	_ =	strace $0x9FFFFFFF  }
0xc1: {  	(tm) =	ssettm $0x7FFFFFFF  }
tec
execute0_lowered:
.L_overlay_start_1:
0x0: {  	(tag) =	ssettag $0x1  }
0x1: {  	s5 =	rddreg [dreg:$0x0]  }
0x2: {  	s0 =	rddreg [dreg:$0x1];
	s2 =	simm.s32 $0x0  }
0x3: {  	s3 =	srdreg.scid;
	s1 =	stileid.u32;
	s12 =	simm.s32 $0xC000  }
0x4: {  	s13 =	simm.s32 $0xC100;
	s14 =	simm.s32 $0xC200;
	s15 =	simm.s32 $0xC280  }
0x5: {  	[smem:$0x7FF] =	sst s2;
	s6 =	sand.u32 $0x1, s3;
	s7 =	sshll.u32 s1, $0x1  }
0x6: {  	s3 =	sadd.s32 $0xC00, s5;
	s4 =	sadd.s32 $0x1800, s5;
	s31 =	sshll.u32 s1, $0xB  }
0x7: {  	_ =	strace $0x80000047;
	s7 =	sor.u32 s6, s7;
	s9 =	ssub.s32 $0x2, s6  }
0x8: {  	s11 =	sshll.u32 s6, $0xA;
	s8 =	sshll.u32 s7, $0x5;
	s7 =	sshll.u32 s7, $0x4  }
0x9: {  	s30 =	sshrl.u32 s9, $0x1;
	s11 =	sor.u32 s11, s31;
	s8 =	sadd.s32 s8, s5  }
0xa: {  	s10 =	sadd.s32 s7, s5;
	s9 =	ssub.s32 s9, s30;
	s16 =	sshrl.u32 s11, $0x2  }
0xb: {  	s11 =	simm.s32 $0x6000;
	s5 =	sadd.s32 $0x2800, s8;
	s6 =	sadd.s32 $0x2400, s8  }
0xc: {  	s7 =	sadd.s32 $0x2C00, s10;
	s8 =	sadd.s32 $0x2E00, s10;
	s17 =	sor.u32 $0x6000, s16;
	v0 =	vmov s16  }
0xd: {  	s9 =	smax.u32 s9, $0x1;
	s10 =	simm.s32 $0x1;
	s16 =	simm.s32 $0x0;
	v1 =	vmov s17  }
.LBB2_1:
0xe: {  	[tilespmem:s2], [sflag:$0x1] =	stream.linear.gather [hbm4b:s3+s2], $0x6000, $0x38;
	[tilespmem:$0xC300] =	vst v63  }
0xf: {  	_ =	swait.ge [sflag:s10], $0x6000  }
0x10: {  	[sflag:s10] =	ssyncset.done $0x0  }
0x11: {  	[sflag:s10] =	ssyncadd.s32 $0xFFFFA000  }
0x12: {  	[tilespmem:s11], [sflag:$0x1] =	stream.linear.gather [hbm4b:s4+s2], $0x6000, $0x38;
	[tilespmem:$0xC300] =	vst v63  }
0x13: {  	_ =	swait.ge [sflag:s10], $0x6000  }
0x14: {  	[sflag:s10] =	ssyncset.done $0x0  }
0x15: {  	[sflag:s10] =	ssyncadd.s32 $0xFFFFA000  }
0x16: {  	[tilespmem:s12], [sflag:$0x1] =	stream.linear.gather [hbm4b:s5+s2], $0x100, $0x38;
	[tilespmem:$0xC300] =	vst v63  }
0x17: {  	_ =	swait.ge [sflag:s10], $0x100  }
0x18: {  	[sflag:s10] =	ssyncset.done $0x0  }
0x19: {  	[sflag:s10] =	ssyncadd.s32 $0xFFFFFF00  }
0x1a: {  	[tilespmem:s13], [sflag:$0x1] =	stream.linear.gather [hbm4b:s6+s2], $0x100, $0x38;
	[tilespmem:$0xC300] =	vst v63  }
0x1b: {  	_ =	swait.ge [sflag:s10], $0x100  }
0x1c: {  	[sflag:s10] =	ssyncset.done $0x0  }
0x1d: {  	s17 =	simm.s32 $0x0;
	[sflag:s10] =	ssyncadd.s32 $0xFFFFFF00  }
0x1e: {  	v2 =	vld [tilespmem:s17+$0xC100]  }
0x1f: {  	v3 =	vld [tilespmem:s17+$0xC000]  }
0x20: {  	v5 =	vld.idx.msk [tilespmem:v0+s17+$0x0 ss:$0x1], $0xffff  }
0x21: {  	v9 =	vld.idx.msk [tilespmem:v0+s17+$0x2000 ss:$0x1], $0xffff  }
0x22: {  	v11 =	vld.idx.msk [tilespmem:v0+s17+$0x4000 ss:$0x1], $0xffff  }
0x23: {  	v8 =	vld.idx.msk [tilespmem:v1+s17+$0x0 ss:$0x1], $0xffff  }
0x24: {  	v10 =	vld.idx.msk [tilespmem:v1+s17+$0x2000 ss:$0x1], $0xffff;
	v4 =	vadd.s32 $0x2000, v2  }
0x25: {  	s31 =	simm.s32 $0x10;
	v13 =	vld.idx.msk [tilespmem:v1+s17+$0x4000 ss:$0x1], $0xffff;
	v6 =	vadd.s32 $0x4000, v2  }
0x26: {  	v17 =	vld [tilespmem:s31+$0xC100];
	v7 =	vadd.s32 $0x2000, v3  }
0x27: {  	v2 =	vld.idx.msk [tilespmem:v2+s2+$0x0], $0xffff  }
0x28: {  	v18 =	vld.idx.msk [tilespmem:v3+s11+$0x0], $0xffff  }
0x29: {  	v12 =	vld.idx.msk [tilespmem:v4+s2+$0x0], $0xffff  }
0x2a: {  	v14 =	vld.idx.msk [tilespmem:v6+s2+$0x0], $0xffff  }
0x2b: {  	v16 =	vadd.s32 $0x4000, v3;
	v15 =	vld.idx.msk [tilespmem:v7+s11+$0x0], $0xffff  }
0x2c: {  	v7 =	vld [tilespmem:s31+$0xC000]  }
0x2d: {  	v3 =	vld.idx.msk [tilespmem:v0+s31+$0x4000 ss:$0x1], $0xffff  }
0x2e: {  	v4 =	vld.idx.msk [tilespmem:v0+s31+$0x0 ss:$0x1], $0xffff;
	v2 =	vsub.f32 v8, v2  }
0x2f: {  	v6 =	vld.idx.msk [tilespmem:v0+s31+$0x2000 ss:$0x1], $0xffff;
	v8 =	vsub.f32 v10, v12;
	v10 =	vadd.s32 $0x2000, v17  }
0x30: {  	v16 =	vld.idx.msk [tilespmem:v16+s11+$0x0], $0xffff;
	v12 =	vsub.f32 v13, v14;
	v2 =	vmul.f32 v2, v2  }
0x31: {  	v14 =	vsub.f32 v9, v15;
	v15 =	vadd.s32 $0x2000, v7;
	v9 =	vld.idx.msk [tilespmem:v1+s31+$0x2000 ss:$0x1], $0xffff;
	v13 =	vmul.f32 v8, v8  }
0x32: {  	v19 =	vadd.s32 $0x4000, v17;
	v8 =	vld.idx.msk [tilespmem:v1+s31+$0x0 ss:$0x1], $0xffff  }
0x33: {  	v5 =	vsub.f32 v5, v18;
	v2 =	vadd.f32 v13, v2;
	v13 =	vmul.f32 v12, v12;
	v12 =	vld.idx.msk [tilespmem:v17+s2+$0x0], $0xffff  }
0x34: {  	v17 =	vmul.f32 v14, v14;
	v14 =	vld.idx.msk [tilespmem:v10+s2+$0x0], $0xffff  }
0x35: {  	v18 =	vmul.f32 v5, v5;
	v20 =	vsub.f32 v11, v16;
	v10 =	vld.idx.msk [tilespmem:v1+s31+$0x4000 ss:$0x1], $0xffff;
	v2 =	vadd.f32 v13, v2  }
0x36: {  	v5 =	vimm.f32 $0.0e+00;
	v11 =	vadd.s32 $0x4000, v7;
	v15 =	vld.idx.msk [tilespmem:v15+s11+$0x0], $0xffff  }
0x37: {  	s18 =	simm.s32 $0xC0;
	s17 =	simm.s32 $0x20;
	v13 =	vld.idx.msk [tilespmem:v19+s2+$0x0], $0xffff;
	v16 =	vadd.f32 v17, v18;
	v17 =	vmul.f32 v20, v20;
	v2 =	vadd.f32 v2, v5  }
.LBB2_2:
0x38: {  	p0 =	sne.s32 s18, $0x3C0;
	v18 =	vld [tilespmem:s17+$0xC100]  }
0x39: {  	v19 =	vld [tilespmem:s17+$0xC000];
	v16 =	vadd.f32 v17, v16  }
0x3a: {  	v17 =	vld.idx.msk [tilespmem:v7+s11+$0x0], $0xffff;
	v7 =	vsub.f32 v8, v12;
	v8 =	vsub.f32 v9, v14  }
0x3b: {  	v14 =	vld.idx.msk [tilespmem:v0+s17+$0x0 ss:$0x1], $0xffff;
	v5 =	vadd.f32 v16, v5  }
0x3c: {  	v9 =	vsub.f32 v10, v13;
	v16 =	vld.idx.msk [tilespmem:v0+s17+$0x2000 ss:$0x1], $0xffff;
	v22 =	vmul.f32 v7, v7;
	v8 =	vmul.f32 v8, v8  }
0x3d: {  	v6 =	vsub.f32 v6, v15;
	v10 =	vadd.s32 $0x2000, v18;
	v13 =	vld.idx.msk [tilespmem:v11+s11+$0x0], $0xffff  }
0x3e: {  	v21 =	vmul.f32 v9, v9;
	v15 =	vadd.s32 $0x2000, v19;
	v20 =	vld.idx.msk [tilespmem:v0+s17+$0x4000 ss:$0x1], $0xffff;
	v12 =	vadd.f32 v8, v22;
	v7 =	vmovc v19  }
0x3f: {  	v19 =	vadd.s32 $0x4000, v18;
	v22 =	vmul.f32 v6, v6;
	v11 =	vadd.s32 $0x4000, v7;
	v8 =	vld.idx.msk [tilespmem:v1+s17+$0x0 ss:$0x1], $0xffff  }
0x40: {  	v23 =	vsub.f32 v4, v17;
	v9 =	vld.idx.msk [tilespmem:v1+s17+$0x2000 ss:$0x1], $0xffff;
	v17 =	vadd.f32 v21, v12  }
.Ltmp0:
0x41: {  	v4 =	vmov v14;
	v12 =	vld.idx.msk [tilespmem:v18+s2+$0x0], $0xffff;
	(pc) =	sbr.rel @p0 .LBB2_2-.Ltmp0, $4  }
0x42: {  	v18 =	vmul.f32 v23, v23;
	v6 =	vmov v16;
	v14 =	vld.idx.msk [tilespmem:v10+s2+$0x0], $0xffff;
	v2 =	vadd.f32 v17, v2  }
0x43: {  	v17 =	vsub.f32 v3, v13;
	v10 =	vld.idx.msk [tilespmem:v1+s17+$0x4000 ss:$0x1], $0xffff  }
0x44: {  	v16 =	vadd.f32 v22, v18;
	v3 =	vmov v20;
	v13 =	vld.idx.msk [tilespmem:v19+s2+$0x0], $0xffff  }
0x45: {  	s17 =	sshra.s32 s18, $0x2;
	s18 =	sadd.s32 $0x40, s18;
	v17 =	vmul.f32 v17, v17;
	v15 =	vld.idx.msk [tilespmem:v15+s11+$0x0], $0xffff  }
0x46: {  	_ =	sdelay $0x1  }
0x47: {  	v18 =	vld [tilespmem:s17+$0xC100]  }
0x48: {  	v19 =	vld [tilespmem:s17+$0xC000]  }
0x49: {  	v7 =	vld.idx.msk [tilespmem:v7+s11+$0x0], $0xffff  }
0x4a: {  	v20 =	vld.idx.msk [tilespmem:v0+s17+$0x0 ss:$0x1], $0xffff  }
0x4b: {  	v21 =	vld.idx.msk [tilespmem:v0+s17+$0x2000 ss:$0x1], $0xffff  }
0x4c: {  	v11 =	vld.idx.msk [tilespmem:v11+s11+$0x0], $0xffff  }
0x4d: {  	v24 =	vld.idx.msk [tilespmem:v0+s17+$0x4000 ss:$0x1], $0xffff  }
0x4e: {  	v25 =	vld.idx.msk [tilespmem:v1+s17+$0x0 ss:$0x1], $0xffff;
	v23 =	vadd.s32 $0x2000, v19  }
0x4f: {  	v26 =	vld.idx.msk [tilespmem:v1+s17+$0x2000 ss:$0x1], $0xffff;
	v22 =	vadd.s32 $0x2000, v18  }
0x50: {  	v52 =	vld.idx.msk [tilespmem:v1+s17+$0x4000 ss:$0x1], $0xffff;
	v27 =	vadd.s32 $0x4000, v19  }
0x51: {  	v8 =	vsub.f32 v8, v12;
	v48 =	vadd.s32 $0x4000, v18;
	v28 =	vld.idx.msk [tilespmem:v18+s2+$0x0], $0xffff  }
0x52: {  	v16 =	vadd.f32 v17, v16;
	v9 =	vsub.f32 v9, v14;
	v51 =	vld.idx.msk [tilespmem:v19+s11+$0x0], $0xffff  }
0x53: {  	v6 =	vsub.f32 v6, v15;
	v4 =	vsub.f32 v4, v7;
	v50 =	vld.idx.msk [tilespmem:v23+s11+$0x0], $0xffff  }
0x54: {  	v8 =	vmul.f32 v8, v8;
	v9 =	vmul.f32 v9, v9;
	v49 =	vld.idx.msk [tilespmem:v22+s2+$0x0], $0xffff  }
0x55: {  	v5 =	vadd.f32 v16, v5;
	v6 =	vmul.f32 v6, v6;
	v4 =	vmul.f32 v4, v4;
	v53 =	vld.idx.msk [tilespmem:v27+s11+$0x0], $0xffff  }
0x56: {  	v10 =	vsub.f32 v10, v13;
	v8 =	vadd.f32 v9, v8;
	v54 =	vld.idx.msk [tilespmem:v48+s2+$0x0], $0xffff  }
0x57: {  	v3 =	vsub.f32 v3, v11;
	v4 =	vadd.f32 v6, v4  }
0x58: {  	v55 =	vmul.f32 v10, v10;
	v7 =	vsub.f32 v20, v51;
	v56 =	vsub.f32 v21, v50  }
0x59: {  	v3 =	vmul.f32 v3, v3;
	v57 =	vsub.f32 v25, v28;
	v58 =	vsub.f32 v26, v49  }
0x5a: {  	v7 =	vmul.f32 v7, v7;
	v59 =	vsub.f32 v24, v53;
	v10 =	vmul.f32 v56, v56  }
0x5b: {  	v9 =	vsub.f32 v52, v54;
	v11 =	vmul.f32 v57, v57;
	v12 =	vmul.f32 v58, v58  }
0x5c: {  	v3 =	vadd.f32 v3, v4;
	v61 =	vmul.f32 v59, v59;
	v60 =	vadd.f32 v10, v7  }
0x5d: {  	v6 =	vadd.f32 v55, v8;
	v9 =	vmul.f32 v9, v9;
	v62 =	vadd.f32 v12, v11  }
0x5e: {  	v3 =	vadd.f32 v3, v5;
	v4 =	vadd.f32 v61, v60  }
0x5f: {  	v2 =	vadd.f32 v6, v2;
	v63 =	vadd.f32 v9, v62  }
0x60: {  	v3 =	vadd.f32 v4, v3  }
0x61: {  	v2 =	vadd.f32 v63, v2  }
0x62: {  	[tilespmem:$0xC200] =	vst v3  }
0x63: {  	[tilespmem:$0xC280] =	vst v2  }
0x64: {  	[hbm4b:s7+s2] =	stream.linear.scatter [tilespmem:s14], [sflag:$0x1], $0x80, $0x38;
	[tilespmem:$0xC300] =	vst v63  }
0x65: {  	s16 =	sadd.s32 $0x1, s16;
	_ =	swait.ge [sflag:s10], $0x80  }
0x66: {  	p0 =	sne.s32 s16, s9;
	[sflag:s10] =	ssyncset.done $0x0  }
.Ltmp1:
0x67: {  	[sflag:s10] =	ssyncadd.s32 $0xFFFFFF80;
	(pc) =	sbr.rel @p0 .LBB2_1-.Ltmp1, $4  }
0x68: {  	[hbm4b:s8+s2] =	stream.linear.scatter [tilespmem:s15], [sflag:$0x1], $0x80, $0x38;
	[tilespmem:$0xC300] =	vst v63  }
0x69: {  	_ =	swait.ge [sflag:s10], $0x80  }
0x6a: {  	[sflag:s10] =	ssyncset.done $0x0  }
0x6b: {  	[sflag:s10] =	ssyncadd.s32 $0xFFFFFF80  }
0x6c: {  	_ =	sfence.sel $0x180000  }
0x6d: {  	[bflag:$0x0] =	sbarrier.arrive $0xFFFF  }
0x6e: {  	p0 =	sne.s32 s1, $0x0;
	_ =	strace $0x90000047  }
0x6f: {  	s0 =	sadd.s32 @!p0 $0x100000, s0;
	[bflag:$0x2] =	sbarrier.arrive $0xFFFF  }
0x70: {  	[sflag:s0] =	ssyncadd.tile.s32 @!p0 $0x1;
	_ =	shalt  }
.Lfunc_end2:
_tile_overlayer_lowered:
.L_overlay_start_2:
0x71: {  	(tag) =	ssettag $0x2  }
0x72: {  	s0 =	rddreg [dreg:$0x0];
	s2 =	stileid.u32  }
0x73: {  	s1 =	rddreg [dreg:$0x1];
	p0 =	sne.s32 s2, $0x0  }
0x74: {  	s3 =	rddreg [dreg:$0x2];
	[bflag:$0x3] =	sbarrier.arrive $0xFFFF;
	s2 =	simm.s32 @!p0 $0x1C01  }
0x75: {  	[timem:s3], [sflag:s2] =	dma.local @!p0 [hbm:s0], s1  }
0x76: {  	s0 =	simm.s32 @!p0 $0x1  }
0x77: {  	_ =	swait.ge @!p0 [sflag:s0], s1  }
0x78: {  	s1 =	ssub.s32 @!p0 $0x0, s1;
	[sflag:s0] =	ssyncset.done @!p0 $0x0  }
0x79: {  	[sflag:s0] =	ssyncadd.s32 @!p0 s1  }
0x7a: {  	[bflag:$0x3] =	sbarrier.arrive $0xFFFF  }
0x7b: {  	_ =	shalt  }

</sc_bundles>
